<compile_context>
chip_gen: v7x
topology: tpu7x:2x2x1
jax: 0.10.2.dev20260603
libtpu: 0.0.44.dev20260713+nightly
codegen_flags: <defaults>
</compile_context>

<pallas_src>
import functools

import jax
import jax.numpy as jnp
from jax import lax
from jax.experimental import pallas as pl
from jax.experimental.pallas import tpu as pltpu, tpu_sc as plsc

NUM_CLASSES = 1000
MEMORY_SIZE = 200
TEMPERATURE = 0.07
MARGIN = 0.5
FEAT_DIM = 512
BATCH = 1024

INV_T = 1.0 / TEMPERATURE
N_VALID = float((NUM_CLASSES - 1) * 20)
CB = 100
N_STEPS = NUM_CLASSES // CB
DB = 256
NB = BATCH // DB


def _stats_body(feat_ref, lc_ref, lr_ref, f_ref, fbf_ref, occ_ref, cnt_ref,
                first_ref, gidx_ref, occr_ref, cntr_ref):
    x = feat_ref[...]
    norm = jnp.sqrt(jnp.sum(x * x, axis=1, keepdims=True))
    f = x / jnp.maximum(norm, 1e-12)
    f_ref[...] = f
    fbf_ref[...] = f.astype(jnp.bfloat16)
    lc = lc_ref[...]
    lr = lr_ref[...]
    eq = lc == lr
    ii = lax.broadcasted_iota(jnp.int32, (BATCH, BATCH), 0)
    jj = lax.broadcasted_iota(jnp.int32, (BATCH, BATCH), 1)
    occ = jnp.sum(jnp.where(eq & (jj < ii), 1, 0).astype(jnp.int32),
                  axis=1, keepdims=True)
    cnt = jnp.sum(eq.astype(jnp.int32), axis=1, keepdims=True)
    first = jnp.min(jnp.where(eq, jj, BATCH), axis=1, keepdims=True)
    slots = occ % MEMORY_SIZE
    occ_ref[...] = occ
    cnt_ref[...] = cnt
    first_ref[...] = first
    gidx_ref[...] = lc * MEMORY_SIZE + slots
    occr_ref[...] = jnp.sum(jnp.where(eq & (ii < jj), 1, 0).astype(jnp.int32),
                            axis=0, keepdims=True)
    cntr_ref[...] = jnp.sum(eq.astype(jnp.int32), axis=0, keepdims=True)


def _stats(features, labels):
    lc = labels.reshape(BATCH, 1)
    lr = labels.reshape(1, BATCH)
    out_shapes = (
        jax.ShapeDtypeStruct((BATCH, FEAT_DIM), jnp.float32),
        jax.ShapeDtypeStruct((BATCH, FEAT_DIM), jnp.bfloat16),
        jax.ShapeDtypeStruct((BATCH, 1), jnp.int32),
        jax.ShapeDtypeStruct((BATCH, 1), jnp.int32),
        jax.ShapeDtypeStruct((BATCH, 1), jnp.int32),
        jax.ShapeDtypeStruct((BATCH, 1), jnp.int32),
        jax.ShapeDtypeStruct((1, BATCH), jnp.int32),
        jax.ShapeDtypeStruct((1, BATCH), jnp.int32),
    )
    return pl.pallas_call(_stats_body, out_shape=out_shapes)(features, lc, lr)


def _sc_gather(table_flat, idx):
    info = plsc.get_sparse_core_info()
    nw = info.num_cores * info.num_subcores
    b_per_w = BATCH // nw
    mesh = plsc.VectorSubcoreMesh(core_axis_name="c", subcore_axis_name="s")

    @functools.partial(
        pl.kernel, mesh=mesh,
        out_type=jax.ShapeDtypeStruct((BATCH, FEAT_DIM), jnp.float32),
        scratch_types=[
            pltpu.VMEM((b_per_w,), jnp.int32),
            pltpu.VMEM((b_per_w, FEAT_DIM), jnp.float32),
            pltpu.SemaphoreType.DMA,
        ],
    )
    def gather_kernel(table_hbm, idx_hbm, out_hbm, idx_v, rows_v, sem):
        wid = lax.axis_index("s") * info.num_cores + lax.axis_index("c")
        base = wid * b_per_w
        pltpu.sync_copy(idx_hbm.at[pl.ds(base, b_per_w)], idx_v)
        pltpu.async_copy(table_hbm.at[idx_v], rows_v, sem).wait()
        pltpu.sync_copy(rows_v, out_hbm.at[pl.ds(base, b_per_w)])

    return gather_kernel(table_flat, idx)


def _main_body(colcls_ref, bank_ref, fbf_ref, lc_ref, sv_ref, sh_ref,
               nh_ref, memb_ref):
    pi = pl.program_id(0)
    blk = bank_ref[...]
    lc = lc_ref[...]
    w = blk[:, :20, :].reshape(CB * 20, FEAT_DIM).astype(jnp.bfloat16)
    z = lax.dot_general(fbf_ref[...], w, (((1,), (1,)), ((), ())),
                        preferred_element_type=jnp.float32)
    cls = colcls_ref[...] + pi * CB
    valid = cls != lc
    hard = valid & (z > MARGIN * TEMPERATURE)
    sv_p = jnp.sum(jnp.where(valid, z, 0.0), axis=1, keepdims=True)
    sh_p = jnp.sum(jnp.where(hard, z, 0.0), axis=1, keepdims=True)
    nh_p = jnp.sum(hard.astype(jnp.float32), axis=1, keepdims=True)
    sb = jnp.sum(blk[:, :50, :], axis=1)
    fsb = lax.dot_general(fbf_ref[...], sb.astype(jnp.bfloat16),
                          (((1,), (1,)), ((), ())),
                          preferred_element_type=jnp.float32)
    cls2 = lax.broadcasted_iota(jnp.int32, (BATCH, CB), 1) + pi * CB
    memb_p = jnp.sum(jnp.where(cls2 == lc, fsb, 0.0), axis=1, keepdims=True)

    @pl.when(pi == 0)
    def _():
        sv_ref[...] = sv_p
        sh_ref[...] = sh_p
        nh_ref[...] = nh_p
        memb_ref[...] = memb_p

    @pl.when(pi > 0)
    def _():
        sv_ref[...] += sv_p
        sh_ref[...] += sh_p
        nh_ref[...] += nh_p
        memb_ref[...] += memb_p


def _main_pass(memory_bank, fbf, labels):
    lc = labels.reshape(BATCH, 1)
    colcls = (jnp.arange(CB * 20, dtype=jnp.int32) // 20).reshape(1, CB * 20)
    acc = jax.ShapeDtypeStruct((BATCH, 1), jnp.float32)
    acc_spec = pl.BlockSpec((BATCH, 1), lambda i: (0, 0))
    return pl.pallas_call(
        _main_body,
        grid=(N_STEPS,),
        in_specs=[
            pl.BlockSpec((1, CB * 20), lambda i: (0, 0)),
            pl.BlockSpec((CB, 56, FEAT_DIM), lambda i: (i, 0, 0)),
            pl.BlockSpec((BATCH, FEAT_DIM), lambda i: (0, 0)),
            pl.BlockSpec((BATCH, 1), lambda i: (0, 0)),
        ],
        out_specs=(acc_spec, acc_spec, acc_spec, acc_spec),
        out_shape=(acc, acc, acc, acc),
    )(colcls, memory_bank, fbf, lc)


def _combine_body(fb_ref, ff_ref, g_ref, lb_ref, lr_ref, occr_ref, cntr_ref,
                  cntb_ref, firstb_ref, sv_ref, sh_ref, nh_ref, memb_ref,
                  out_ref):
    pi = pl.program_id(0)
    fb = fb_ref[...]
    p = lax.dot_general(fb, ff_ref[...], (((1,), (1,)), ((), ())),
                        preferred_element_type=jnp.float32)
    q = lax.dot_general(fb, g_ref[...].astype(jnp.bfloat16),
                        (((1,), (1,)), ((), ())),
                        preferred_element_type=jnp.float32)
    eq = lb_ref[...] == lr_ref[...]
    occr = occr_ref[...]
    cntr = cntr_ref[...]
    slots_r = occr % MEMORY_SIZE
    active = (occr + MEMORY_SIZE) >= cntr
    u20 = active & (slots_r < 20)
    u50 = active & (slots_r < 50)
    inc = eq & (cntb_ref[...] > 1) & (occr != firstb_ref[...])
    mt = MARGIN * TEMPERATURE
    pos_sum = jnp.sum(jnp.where(inc, p, 0.0), axis=1, keepdims=True)
    n_batch = jnp.sum(inc.astype(jnp.float32), axis=1, keepdims=True)
    memcorr = jnp.sum(jnp.where(eq & u50, p - q, 0.0), axis=1, keepdims=True)
    mem_s = (memb_ref[...] + memcorr) * INV_T
    ucol = u20 & (~eq)
    ph = p > mt
    qh = q > mt
    dsv = jnp.sum(jnp.where(ucol, p - q, 0.0), axis=1, keepdims=True)
    dnh = jnp.sum(jnp.where(ucol,
                            ph.astype(jnp.float32) - qh.astype(jnp.float32),
                            0.0), axis=1, keepdims=True)
    dsh = jnp.sum(jnp.where(ucol,
                            jnp.where(ph, p, 0.0) - jnp.where(qh, q, 0.0),
                            0.0), axis=1, keepdims=True)
    sum_valid = (sv_ref[...] + dsv) * INV_T
    sum_hard = (sh_ref[...] + dsh) * INV_T
    n_hard = nh_ref[...] + dnh
    pos_loss = -(pos_sum * INV_T + mem_s) / (n_batch + 50.0)
    neg_loss = jnp.where(n_hard > 0.0,
                         sum_hard / jnp.maximum(n_hard, 1.0),
                         sum_valid / N_VALID)
    partial = jnp.sum(pos_loss + neg_loss, axis=0, keepdims=True)

    @pl.when(pi == 0)
    def _():
        out_ref[...] = partial

    @pl.when(pi > 0)
    def _():
        out_ref[...] += partial

    @pl.when(pi == NB - 1)
    def _():
        out_ref[...] = out_ref[...] * (1.0 / BATCH)


def _combine(fbf, g, labels, occr, cntr, cnt, first, sv, sh, nh, memb):
    lr = labels.reshape(1, BATCH)
    lb = labels.reshape(BATCH, 1)
    blk = lambda i: (i, 0)
    full = lambda i: (0, 0)
    out = pl.pallas_call(
        _combine_body,
        grid=(NB,),
        in_specs=[
            pl.BlockSpec((DB, FEAT_DIM), blk),
            pl.BlockSpec((BATCH, FEAT_DIM), full),
            pl.BlockSpec((BATCH, FEAT_DIM), full),
            pl.BlockSpec((DB, 1), blk),
            pl.BlockSpec((1, BATCH), full),
            pl.BlockSpec((1, BATCH), full),
            pl.BlockSpec((1, BATCH), full),
            pl.BlockSpec((DB, 1), blk),
            pl.BlockSpec((DB, 1), blk),
            pl.BlockSpec((DB, 1), blk),
            pl.BlockSpec((DB, 1), blk),
            pl.BlockSpec((DB, 1), blk),
            pl.BlockSpec((DB, 1), blk),
        ],
        out_specs=pl.BlockSpec((1, 1), full),
        out_shape=jax.ShapeDtypeStruct((1, 1), jnp.float32),
    )(fbf, fbf, g, lb, lr, occr, cntr, cnt, first, sv, sh, nh, memb)
    return out


def kernel(features, labels, memory_bank):
    f, fbf, occ, cnt, first, gidx, occr, cntr = _stats(features, labels)
    table_flat = memory_bank.reshape(NUM_CLASSES * MEMORY_SIZE, FEAT_DIM)
    g = _sc_gather(table_flat, gidx.reshape(BATCH))
    sv, sh, nh, memb = _main_pass(memory_bank, fbf, labels)
    out = _combine(fbf, g, labels, occr, cntr, cnt, first, sv, sh, nh, memb)
    return out.reshape(())

# --- scband reference (transcript-rebuilt; emitter-appended) ---
"""Pipeline reference for scband-global-negative-contrastive-loss-5274219840045 (READ-ONLY COPY).

The authoritative reference and input builder live on the scoring server;
editing this copy changes nothing except your own understanding.
"""

import jax, jax.numpy as jnp
import numpy as np

NUM_CLASSES = 1000
MEMORY_SIZE = 200
TEMPERATURE = 0.07
MARGIN = 0.5
FEAT_DIM = 512
BATCH = 1024


def _normalize(x, axis):
    return x / jnp.maximum(jnp.linalg.norm(x, axis=axis, keepdims=True), 1e-12)


def setup_inputs(seed: int = 0):
    key = jax.random.key(seed)
    k1, k2, k3 = jax.random.split(key, 3)
    features = jax.random.normal(k1, (BATCH, FEAT_DIM), dtype=jnp.float32)
    labels = jax.random.randint(k2, (BATCH,), 0, NUM_CLASSES, dtype=jnp.int32)
    memory_bank = _normalize(jax.random.normal(k3, (NUM_CLASSES, MEMORY_SIZE, FEAT_DIM), dtype=jnp.float32), 2)
    return {"features": features, "labels": labels, "memory_bank": memory_bank}


def reference(features, labels, memory_bank):
    B = features.shape[0]
    f = _normalize(features, 1)
    # --- update_memory_bank (no_grad, sequential FIFO per class; memory_ptr starts at 0,
    # so the j-th occurrence of a label in the batch lands in slot j % MEMORY_SIZE) ---
    eq = labels[:, None] == labels[None, :]
    occ = jnp.sum(jnp.tril(eq, -1), axis=1)          # number of prior occurrences of labels[i]
    slots = occ % MEMORY_SIZE
    bank = memory_bank.at[labels, slots].set(jax.lax.stop_gradient(f))
    # --- positives ---
    cnt = jnp.sum(eq, axis=1)                         # same-label count in batch (incl. self)
    idxs = jnp.arange(B)
    first_idx = jnp.min(jnp.where(eq, idxs[None, :], B), axis=1)  # first batch index with this label
    # torch bug kept faithful: mask excludes the position within batch_positives equal to the
    # FIRST-OCCURRENCE batch index; position of j within batch_positives == occ[j]
    inc = eq & (cnt[:, None] > 1) & (occ[None, :] != first_idx[:, None])
    sims_batch = (f @ f.T) / TEMPERATURE
    pos_sum = jnp.sum(jnp.where(inc, sims_batch, 0.0), axis=1)
    n_batch = jnp.sum(inc, axis=1)
    mem50 = bank[labels, :50, :]                      # [B, 50, 512] gathered memory positives
    sims_mem = jnp.einsum('bd,bkd->bk', f, mem50) / TEMPERATURE
    pos_loss = -(pos_sum + jnp.sum(sims_mem, axis=1)) / (n_batch + 50).astype(f.dtype)
    # --- negatives: bank[c, :20] for all c != anchor label ---
    neg_bank = bank[:, :20, :].reshape(NUM_CLASSES * 20, FEAT_DIM)
    sims_neg = (f @ neg_bank.T) / TEMPERATURE         # [B, C*20]
    col_class = jnp.repeat(jnp.arange(NUM_CLASSES), 20)
    valid = col_class[None, :] != labels[:, None]
    hard = valid & (sims_neg > MARGIN)
    n_hard = jnp.sum(hard, axis=1)
    sum_hard = jnp.sum(jnp.where(hard, sims_neg, 0.0), axis=1)
    sum_valid = jnp.sum(jnp.where(valid, sims_neg, 0.0), axis=1)
    n_valid = float((NUM_CLASSES - 1) * 20)
    neg_loss = jnp.where(n_hard > 0,
                         sum_hard / jnp.maximum(n_hard, 1).astype(f.dtype),
                         sum_valid / n_valid)
    return jnp.mean(pos_loss + neg_loss)

if __name__ == "__main__":
    import jax
    _d = setup_inputs()
    print(jax.jit(kernel)(*tuple(_d.values())))

</pallas_src>

<mosaic_0001>
#map = affine_map<(d0, d1) -> (0, 0)>
#map1 = affine_map<(d0, d1) -> (0)>
module attributes {stable_mosaic.version = 14 : i64} {
  func.func @gather_kernel(%arg0: i32, %arg1: i32, %arg2: memref<200000x512xf32, #tpu.memory_space<hbm>>, %arg3: memref<1024xi32, #tpu.memory_space<hbm>>, %arg4: memref<1024x512xf32, #tpu.memory_space<hbm>>, %arg5: memref<32xi32, #tpu.memory_space<vmem>>, %arg6: memref<32x512xf32, #tpu.memory_space<vmem>>, %arg7: memref<!tpu.dma_semaphore, #tpu.memory_space<semaphore_mem>>) attributes {dimension_semantics = [#tpu.dimension_semantics<core_parallel>, #tpu.dimension_semantics<subcore_parallel>], iteration_bounds = array<i64: 2, 16>, scalar_prefetch = 0 : i64, scratch_operands = 3 : i64, tpu.core_type = #tpu.core_type<sc_vector_subcore>, window_params = [{transform_indices = #map}, {transform_indices = #map1}, {transform_indices = #map}]} {
    %mul3A = arith.constant 2 : i32
    %mul3A_0 = arith.muli %arg1, %mul3A : i32
    %add3A = arith.addi %mul3A_0, %arg0 : i32
    %mul3A_1 = arith.constant 32 : i32
    %mul3A_2 = arith.muli %add3A, %mul3A_1 : i32
    "tpu.region"() ({
      %run_scoped3A = tpu.sem_alloc : memref<!tpu.dma_semaphore, #tpu.memory_space<semaphore_mem>>
      %dma_start3A_7 = tpu.memref_slice %arg3[%mul3A_2] : memref<1024xi32, #tpu.memory_space<hbm>> -> memref<32xi32, #tpu.memory_space<hbm>>
      %dma_start3A_8 = tpu.memref_slice %arg3[%mul3A_2] : memref<1024xi32, #tpu.memory_space<hbm>> -> memref<32xi32, #tpu.memory_space<hbm>>
      tpu.enqueue_dma source(%dma_start3A_8 : memref<32xi32, #tpu.memory_space<hbm>>) target(%arg5 : memref<32xi32, #tpu.memory_space<vmem>>) target_semaphore(%run_scoped3A : memref<!tpu.dma_semaphore, #tpu.memory_space<semaphore_mem>>)
      %dma_wait3A_9 = tpu.memref_slice %arg3[%mul3A_2] : memref<1024xi32, #tpu.memory_space<hbm>> -> memref<32xi32, #tpu.memory_space<hbm>>
      %dma_wait3A_10 = tpu.memref_slice %arg3[%mul3A_2] : memref<1024xi32, #tpu.memory_space<hbm>> -> memref<32xi32, #tpu.memory_space<hbm>>
      tpu.wait_dma2 semaphore(%run_scoped3A : memref<!tpu.dma_semaphore, #tpu.memory_space<semaphore_mem>>) src(%dma_wait3A_10 : memref<32xi32, #tpu.memory_space<hbm>>) dst(%arg5 : memref<32xi32, #tpu.memory_space<vmem>>)
      tpu.yield
    }) : () -> ()
    %dma_start3A = arith.constant 0 : i32
    %dma_start3A_3 = arith.constant 0 : i32
    %dma_start3A_4 = tpu.memref_slice %arg2[%dma_start3A, %dma_start3A_3] : memref<200000x512xf32, #tpu.memory_space<hbm>> -> memref<200000x512xf32, #tpu.memory_space<hbm>>
    tpu.enqueue_indirect_dma source(%dma_start3A_4 : memref<200000x512xf32, #tpu.memory_space<hbm>>) target(%arg6 : memref<32x512xf32, #tpu.memory_space<vmem>>) offsets(%arg5 : memref<32xi32, #tpu.memory_space<vmem>>) semaphore(%arg7 : memref<!tpu.dma_semaphore, #tpu.memory_space<semaphore_mem>>)
    %dma_wait3A = arith.constant 0 : i32
    %dma_wait3A_5 = arith.constant 0 : i32
    %dma_wait3A_6 = tpu.memref_slice %arg2[%dma_wait3A, %dma_wait3A_5] : memref<200000x512xf32, #tpu.memory_space<hbm>> -> memref<200000x512xf32, #tpu.memory_space<hbm>>
    tpu.wait_indirect_dma semaphore(%arg7 : memref<!tpu.dma_semaphore, #tpu.memory_space<semaphore_mem>>) src(%dma_wait3A_6 : memref<200000x512xf32, #tpu.memory_space<hbm>>) dst(%arg6 : memref<32x512xf32, #tpu.memory_space<vmem>>)
    "tpu.region"() ({
      %run_scoped3A = tpu.sem_alloc : memref<!tpu.dma_semaphore, #tpu.memory_space<semaphore_mem>>
      %dma_start3A_7 = arith.constant 0 : i32
      %dma_start3A_8 = tpu.memref_slice %arg4[%mul3A_2, %dma_start3A_7] : memref<1024x512xf32, #tpu.memory_space<hbm>> -> memref<32x512xf32, #tpu.memory_space<hbm>>
      %dma_start3A_9 = arith.constant 0 : i32
      %dma_start3A_10 = tpu.memref_slice %arg4[%mul3A_2, %dma_start3A_9] : memref<1024x512xf32, #tpu.memory_space<hbm>> -> memref<32x512xf32, #tpu.memory_space<hbm>>
      tpu.enqueue_dma source(%arg6 : memref<32x512xf32, #tpu.memory_space<vmem>>) target(%dma_start3A_10 : memref<32x512xf32, #tpu.memory_space<hbm>>) target_semaphore(%run_scoped3A : memref<!tpu.dma_semaphore, #tpu.memory_space<semaphore_mem>>)
      %dma_wait3A_11 = arith.constant 0 : i32
      %dma_wait3A_12 = tpu.memref_slice %arg4[%mul3A_2, %dma_wait3A_11] : memref<1024x512xf32, #tpu.memory_space<hbm>> -> memref<32x512xf32, #tpu.memory_space<hbm>>
      %dma_wait3A_13 = arith.constant 0 : i32
      %dma_wait3A_14 = tpu.memref_slice %arg4[%mul3A_2, %dma_wait3A_13] : memref<1024x512xf32, #tpu.memory_space<hbm>> -> memref<32x512xf32, #tpu.memory_space<hbm>>
      tpu.wait_dma2 semaphore(%run_scoped3A : memref<!tpu.dma_semaphore, #tpu.memory_space<semaphore_mem>>) src(%arg6 : memref<32x512xf32, #tpu.memory_space<vmem>>) dst(%dma_wait3A_14 : memref<32x512xf32, #tpu.memory_space<hbm>>)
      tpu.yield
    }) : () -> ()
    return
  }
}

module attributes {stable_mosaic.version = 14 : i64} {
  func.func @_stats_body(%arg0: memref<1024x512xf32, #tpu.memory_space<vmem>>, %arg1: memref<1024x1xi32, #tpu.memory_space<vmem>>, %arg2: memref<1x1024xi32, #tpu.memory_space<vmem>>, %arg3: memref<1024x512xf32, #tpu.memory_space<vmem>>, %arg4: memref<1024x512xbf16, #tpu.memory_space<vmem>>, %arg5: memref<1024x1xi32, #tpu.memory_space<vmem>>, %arg6: memref<1024x1xi32, #tpu.memory_space<vmem>>, %arg7: memref<1024x1xi32, #tpu.memory_space<vmem>>, %arg8: memref<1024x1xi32, #tpu.memory_space<vmem>>, %arg9: memref<1x1024xi32, #tpu.memory_space<vmem>>, %arg10: memref<1x1024xi32, #tpu.memory_space<vmem>>) attributes {dimension_semantics = [], scalar_prefetch = 0 : i64, scratch_operands = 0 : i64, tpu.core_type = #tpu.core_type<tc>} {
    %get3A = arith.constant 0 : index
    %get3A_0 = arith.constant 0 : index
    %get3A_1 = vector.load %arg0[%get3A, %get3A_0] : memref<1024x512xf32, #tpu.memory_space<vmem>>, vector<1024x512xf32>
    %mul3A = arith.mulf %get3A_1, %get3A_1 : vector<1024x512xf32>
    %reduce_sum3A = arith.constant dense<0.000000e+00> : vector<1024xf32>
    %reduce_sum3A_2 = vector.multi_reduction <add>, %mul3A, %reduce_sum3A [1] : vector<1024x512xf32> to vector<1024xf32>
    %broadcast_in_dim3A = vector.shape_cast %reduce_sum3A_2 : vector<1024xf32> to vector<1024x1xf32>
    %sqrt3A = math.sqrt %broadcast_in_dim3A : vector<1024x1xf32>
    %max3A = arith.constant 9.99999996E-13 : f32
    %max3A_3 = vector.broadcast %max3A : f32 to vector<1024x1xf32>
    %max3A_4 = arith.maximumf %sqrt3A, %max3A_3 : vector<1024x1xf32>
    %div3A = vector.broadcast %max3A_4 : vector<1024x1xf32> to vector<1024x512xf32>
    %div3A_5 = arith.divf %get3A_1, %div3A : vector<1024x512xf32>
    %swap3A = arith.constant 0 : index
    %swap3A_6 = arith.constant 0 : index
    %swap3A_7 = vector.load %arg3[%swap3A, %swap3A_6] : memref<1024x512xf32, #tpu.memory_space<vmem>>, vector<1024x512xf32>
    tpu.vector_store %arg3[%swap3A, %swap3A_6], %div3A_5 {strides = array<i32>} : memref<1024x512xf32, #tpu.memory_space<vmem>>, vector<1024x512xf32>,
    %convert_element_type3A = arith.truncf %div3A_5 : vector<1024x512xf32> to vector<1024x512xbf16>
    %swap3A_8 = arith.constant 0 : index
    %swap3A_9 = arith.constant 0 : index
    %swap3A_10 = vector.load %arg4[%swap3A_8, %swap3A_9] : memref<1024x512xbf16, #tpu.memory_space<vmem>>, vector<1024x512xbf16>
    tpu.vector_store %arg4[%swap3A_8, %swap3A_9], %convert_element_type3A {strides = array<i32>} : memref<1024x512xbf16, #tpu.memory_space<vmem>>, vector<1024x512xbf16>,
    %get3A_11 = arith.constant 0 : index
    %get3A_12 = arith.constant 0 : index
    %get3A_13 = vector.load %arg1[%get3A_11, %get3A_12] : memref<1024x1xi32, #tpu.memory_space<vmem>>, vector<1024x1xi32>
    %get3A_14 = arith.constant 0 : index
    %get3A_15 = arith.constant 0 : index
    %get3A_16 = vector.load %arg2[%get3A_14, %get3A_15] : memref<1x1024xi32, #tpu.memory_space<vmem>>, vector<1x1024xi32>
    %eq3A = vector.broadcast %get3A_13 : vector<1024x1xi32> to vector<1024x1024xi32>
    %eq3A_17 = vector.broadcast %get3A_16 : vector<1x1024xi32> to vector<1024x1024xi32>
    %eq3A_18 = arith.cmpi eq, %eq3A, %eq3A_17 : vector<1024x1024xi32>
    %iota3A = tpu.iota {dimensions = array<i32: 0>} : vector<1024x1024xi32>
    %iota3A_19 = tpu.iota {dimensions = array<i32: 1>} : vector<1024x1024xi32>
    %lt3A = arith.cmpi slt, %iota3A_19, %iota3A : vector<1024x1024xi32>
    %and3A = arith.andi %eq3A_18, %lt3A : vector<1024x1024xi1>
    %jit3A = arith.constant 1 : i32
    %jit3A_20 = arith.constant 0 : i32
    %broadcast_in_dim3A_21 = vector.broadcast %jit3A : i32 to vector<1024x1024xi32>
    %broadcast_in_dim3A_22 = vector.broadcast %jit3A_20 : i32 to vector<1024x1024xi32>
    %select_n3A = arith.select %and3A, %broadcast_in_dim3A_21, %broadcast_in_dim3A_22 : vector<1024x1024xi1>, vector<1024x1024xi32>
    %reduce_sum3A_23 = arith.constant dense<0> : vector<1024xi32>
    %reduce_sum3A_24 = vector.multi_reduction <add>, %select_n3A, %reduce_sum3A_23 [1] : vector<1024x1024xi32> to vector<1024xi32>
    %broadcast_in_dim3A_25 = vector.shape_cast %reduce_sum3A_24 : vector<1024xi32> to vector<1024x1xi32>
    %convert_element_type3A_26 = arith.extui %eq3A_18 : vector<1024x1024xi1> to vector<1024x1024xi32>
    %reduce_sum3A_27 = arith.constant dense<0> : vector<1024xi32>
    %reduce_sum3A_28 = vector.multi_reduction <add>, %convert_element_type3A_26, %reduce_sum3A_27 [1] : vector<1024x1024xi32> to vector<1024xi32>
    %broadcast_in_dim3A_29 = vector.shape_cast %reduce_sum3A_28 : vector<1024xi32> to vector<1024x1xi32>
    %jit3A_30 = arith.constant 1024 : i32
    %broadcast_in_dim3A_31 = vector.broadcast %jit3A_30 : i32 to vector<1024x1024xi32>
    %select_n3A_32 = arith.select %eq3A_18, %iota3A_19, %broadcast_in_dim3A_31 : vector<1024x1024xi1>, vector<1024x1024xi32>
    %reduce_min3A = arith.constant dense<2147483647> : vector<1024xi32>
    %reduce_min3A_33 = vector.multi_reduction <minsi>, %select_n3A_32, %reduce_min3A [1] : vector<1024x1024xi32> to vector<1024xi32>
    %broadcast_in_dim3A_34 = vector.shape_cast %reduce_min3A_33 : vector<1024xi32> to vector<1024x1xi32>
    %jit3A_35 = arith.constant 200 : i32
    %eq3A_36 = arith.constant 0 : i32
    %eq3A_37 = arith.cmpi eq, %jit3A_35, %eq3A_36 : i32
    %jit3A_38 = arith.constant 1 : i32
    %select_n3A_39 = arith.select %eq3A_37, %jit3A_38, %jit3A_35 : i32
    %rem3A = vector.broadcast %select_n3A_39 : i32 to vector<1024x1xi32>
    %rem3A_40 = arith.remsi %broadcast_in_dim3A_25, %rem3A : vector<1024x1xi32>
    %ne3A = arith.constant 0 : i32
    %ne3A_41 = vector.broadcast %ne3A : i32 to vector<1024x1xi32>
    %ne3A_42 = arith.cmpi ne, %rem3A_40, %ne3A_41 : vector<1024x1xi32>
    %lt3A_43 = arith.constant 0 : i32
    %lt3A_44 = vector.broadcast %lt3A_43 : i32 to vector<1024x1xi32>
    %lt3A_45 = arith.cmpi slt, %rem3A_40, %lt3A_44 : vector<1024x1xi32>
    %lt3A_46 = arith.constant 0 : i32
    %lt3A_47 = arith.cmpi slt, %select_n3A_39, %lt3A_46 : i32
    %ne3A_48 = vector.broadcast %lt3A_47 : i1 to vector<1024x1xi1>
    %ne3A_49 = vector.broadcast %ne3A_48 : vector<1024x1xi1> to vector<1024x1xi1>
    %ne3A_50 = arith.xori %lt3A_45, %ne3A_49 : vector<1024x1xi1>
    %and3A_51 = arith.andi %ne3A_50, %ne3A_42 : vector<1024x1xi1>
    %add3A = vector.broadcast %select_n3A_39 : i32 to vector<1024x1xi32>
    %add3A_52 = arith.addi %rem3A_40, %add3A : vector<1024x1xi32>
    %select_n3A_53 = arith.select %and3A_51, %add3A_52, %rem3A_40 : vector<1024x1xi1>, vector<1024x1xi32>
    %swap3A_54 = arith.constant 0 : index
    %swap3A_55 = arith.constant 0 : index
    %swap3A_56 = vector.load %arg5[%swap3A_54, %swap3A_55] : memref<1024x1xi32, #tpu.memory_space<vmem>>, vector<1024x1xi32>
    tpu.vector_store %arg5[%swap3A_54, %swap3A_55], %broadcast_in_dim3A_25 {strides = array<i32>} : memref<1024x1xi32, #tpu.memory_space<vmem>>, vector<1024x1xi32>,
    %swap3A_57 = arith.constant 0 : index
    %swap3A_58 = arith.constant 0 : index
    %swap3A_59 = vector.load %arg6[%swap3A_57, %swap3A_58] : memref<1024x1xi32, #tpu.memory_space<vmem>>, vector<1024x1xi32>
    tpu.vector_store %arg6[%swap3A_57, %swap3A_58], %broadcast_in_dim3A_29 {strides = array<i32>} : memref<1024x1xi32, #tpu.memory_space<vmem>>, vector<1024x1xi32>,
    %swap3A_60 = arith.constant 0 : index
    %swap3A_61 = arith.constant 0 : index
    %swap3A_62 = vector.load %arg7[%swap3A_60, %swap3A_61] : memref<1024x1xi32, #tpu.memory_space<vmem>>, vector<1024x1xi32>
    tpu.vector_store %arg7[%swap3A_60, %swap3A_61], %broadcast_in_dim3A_34 {strides = array<i32>} : memref<1024x1xi32, #tpu.memory_space<vmem>>, vector<1024x1xi32>,
    %mul3A_63 = arith.constant 200 : i32
    %mul3A_64 = vector.broadcast %mul3A_63 : i32 to vector<1024x1xi32>
    %mul3A_65 = arith.muli %get3A_13, %mul3A_64 : vector<1024x1xi32>
    %add3A_66 = arith.addi %mul3A_65, %select_n3A_53 : vector<1024x1xi32>
    %swap3A_67 = arith.constant 0 : index
    %swap3A_68 = arith.constant 0 : index
    %swap3A_69 = vector.load %arg8[%swap3A_67, %swap3A_68] : memref<1024x1xi32, #tpu.memory_space<vmem>>, vector<1024x1xi32>
    tpu.vector_store %arg8[%swap3A_67, %swap3A_68], %add3A_66 {strides = array<i32>} : memref<1024x1xi32, #tpu.memory_space<vmem>>, vector<1024x1xi32>,
    %lt3A_70 = arith.cmpi slt, %iota3A, %iota3A_19 : vector<1024x1024xi32>
    %and3A_71 = arith.andi %eq3A_18, %lt3A_70 : vector<1024x1024xi1>
    %jit3A_72 = arith.constant 1 : i32
    %jit3A_73 = arith.constant 0 : i32
    %broadcast_in_dim3A_74 = vector.broadcast %jit3A_72 : i32 to vector<1024x1024xi32>
    %broadcast_in_dim3A_75 = vector.broadcast %jit3A_73 : i32 to vector<1024x1024xi32>
    %select_n3A_76 = arith.select %and3A_71, %broadcast_in_dim3A_74, %broadcast_in_dim3A_75 : vector<1024x1024xi1>, vector<1024x1024xi32>
    %reduce_sum3A_77 = arith.constant dense<0> : vector<1024xi32>
    %reduce_sum3A_78 = vector.multi_reduction <add>, %select_n3A_76, %reduce_sum3A_77 [0] : vector<1024x1024xi32> to vector<1024xi32>
    %broadcast_in_dim3A_79 = vector.shape_cast %reduce_sum3A_78 : vector<1024xi32> to vector<1x1024xi32>
    %swap3A_80 = arith.constant 0 : index
    %swap3A_81 = arith.constant 0 : index
    %swap3A_82 = vector.load %arg9[%swap3A_80, %swap3A_81] : memref<1x1024xi32, #tpu.memory_space<vmem>>, vector<1x1024xi32>
    tpu.vector_store %arg9[%swap3A_80, %swap3A_81], %broadcast_in_dim3A_79 {strides = array<i32>} : memref<1x1024xi32, #tpu.memory_space<vmem>>, vector<1x1024xi32>,
    %convert_element_type3A_83 = arith.extui %eq3A_18 : vector<1024x1024xi1> to vector<1024x1024xi32>
    %reduce_sum3A_84 = arith.constant dense<0> : vector<1024xi32>
    %reduce_sum3A_85 = vector.multi_reduction <add>, %convert_element_type3A_83, %reduce_sum3A_84 [0] : vector<1024x1024xi32> to vector<1024xi32>
    %broadcast_in_dim3A_86 = vector.shape_cast %reduce_sum3A_85 : vector<1024xi32> to vector<1x1024xi32>
    %swap3A_87 = arith.constant 0 : index
    %swap3A_88 = arith.constant 0 : index
    %swap3A_89 = vector.load %arg10[%swap3A_87, %swap3A_88] : memref<1x1024xi32, #tpu.memory_space<vmem>>, vector<1x1024xi32>
    tpu.vector_store %arg10[%swap3A_87, %swap3A_88], %broadcast_in_dim3A_86 {strides = array<i32>} : memref<1x1024xi32, #tpu.memory_space<vmem>>, vector<1x1024xi32>,
    return
  }
}

module attributes {stable_mosaic.version = 14 : i64} {
  func.func @_main_body(%arg0: i32, %arg1: memref<1x2000xi32, #tpu.memory_space<vmem>>, %arg2: memref<100x56x512xf32, #tpu.memory_space<vmem>>, %arg3: memref<1024x512xbf16, #tpu.memory_space<vmem>>, %arg4: memref<1024x1xi32, #tpu.memory_space<vmem>>, %arg5: memref<1024x1xf32, #tpu.memory_space<vmem>>, %arg6: memref<1024x1xf32, #tpu.memory_space<vmem>>, %arg7: memref<1024x1xf32, #tpu.memory_space<vmem>>, %arg8: memref<1024x1xf32, #tpu.memory_space<vmem>>) attributes {dimension_semantics = [#tpu.dimension_semantics<arbitrary>], iteration_bounds = array<i64: 10>, scalar_prefetch = 0 : i64, scratch_operands = 0 : i64, tpu.core_type = #tpu.core_type<tc>, window_params = [{pipeline_mode = #tpu.pipeline_mode<synchronous>, transform_indices = @transform_0, window_bounds = array<i64: 1, 2000>}, {transform_indices = @transform_1, window_bounds = array<i64: 100, 56, 512>}, {pipeline_mode = #tpu.pipeline_mode<synchronous>, transform_indices = @transform_2, window_bounds = array<i64: 1024, 512>}, {pipeline_mode = #tpu.pipeline_mode<synchronous>, transform_indices = @transform_3, window_bounds = array<i64: 1024, 1>}, {pipeline_mode = #tpu.pipeline_mode<synchronous>, transform_indices = @transform_4, window_bounds = array<i64: 1024, 1>}, {pipeline_mode = #tpu.pipeline_mode<synchronous>, transform_indices = @transform_5, window_bounds = array<i64: 1024, 1>}, {pipeline_mode = #tpu.pipeline_mode<synchronous>, transform_indices = @transform_6, window_bounds = array<i64: 1024, 1>}, {pipeline_mode = #tpu.pipeline_mode<synchronous>, transform_indices = @transform_7, window_bounds = array<i64: 1024, 1>}]} {
    %get3A = arith.constant 0 : index
    %get3A_0 = arith.constant 0 : index
    %get3A_1 = arith.constant 0 : index
    %get3A_2 = vector.load %arg2[%get3A, %get3A_0, %get3A_1] : memref<100x56x512xf32, #tpu.memory_space<vmem>>, vector<100x56x512xf32>
    %get3A_3 = arith.constant 0 : index
    %get3A_4 = arith.constant 0 : index
    %get3A_5 = vector.load %arg4[%get3A_3, %get3A_4] : memref<1024x1xi32, #tpu.memory_space<vmem>>, vector<1024x1xi32>
    %slice3A = vector.extract_strided_slice %get3A_2 {offsets = [0, 0, 0], sizes = [100, 20, 512], strides = [1, 1, 1]} : vector<100x56x512xf32> to vector<100x20x512xf32>
    %reshape3A = vector.shape_cast %slice3A : vector<100x20x512xf32> to vector<2000x512xf32>
    %convert_element_type3A = arith.truncf %reshape3A : vector<2000x512xf32> to vector<2000x512xbf16>
    %get3A_6 = arith.constant 0 : index
    %get3A_7 = arith.constant 0 : index
    %get3A_8 = vector.load %arg3[%get3A_6, %get3A_7] : memref<1024x512xbf16, #tpu.memory_space<vmem>>, vector<1024x512xbf16>
    %dot_general3A = arith.constant dense<0.000000e+00> : vector<1024x2000xf32>
    %dot_general3A_9 = tpu.matmul %get3A_8, %convert_element_type3A, %dot_general3A {dimension_numbers = #tpu.dot_dimension_numbers<[1], [1], [0], [0], [0, 0, 1, 0], [], []>, transpose_lhs_hint = false} : vector<1024x512xbf16>, vector<2000x512xbf16>, vector<1024x2000xf32> -> vector<1024x2000xf32>
    %get3A_10 = arith.constant 0 : index
    %get3A_11 = arith.constant 0 : index
    %get3A_12 = vector.load %arg1[%get3A_10, %get3A_11] : memref<1x2000xi32, #tpu.memory_space<vmem>>, vector<1x2000xi32>
    %mul3A = arith.constant 100 : i32
    %mul3A_13 = arith.muli %arg0, %mul3A : i32
    %add3A = vector.broadcast %mul3A_13 : i32 to vector<1x2000xi32>
    %add3A_14 = arith.addi %get3A_12, %add3A : vector<1x2000xi32>
    %ne3A = vector.broadcast %add3A_14 : vector<1x2000xi32> to vector<1024x2000xi32>
    %ne3A_15 = vector.broadcast %get3A_5 : vector<1024x1xi32> to vector<1024x2000xi32>
    %ne3A_16 = arith.cmpi ne, %ne3A, %ne3A_15 : vector<1024x2000xi32>
    %gt3A = arith.constant 3.500000e-02 : f32
    %gt3A_17 = vector.broadcast %gt3A : f32 to vector<1024x2000xf32>
    %gt3A_18 = arith.cmpf ogt, %dot_general3A_9, %gt3A_17 : vector<1024x2000xf32>
    %and3A = arith.andi %ne3A_16, %gt3A_18 : vector<1024x2000xi1>
    %jit3A = arith.constant 0.000000e+00 : f32
    %broadcast_in_dim3A = vector.broadcast %jit3A : f32 to vector<1024x2000xf32>
    %select_n3A = arith.select %ne3A_16, %dot_general3A_9, %broadcast_in_dim3A : vector<1024x2000xi1>, vector<1024x2000xf32>
    %reduce_sum3A = arith.constant dense<0.000000e+00> : vector<1024xf32>
    %reduce_sum3A_19 = vector.multi_reduction <add>, %select_n3A, %reduce_sum3A [1] : vector<1024x2000xf32> to vector<1024xf32>
    %broadcast_in_dim3A_20 = vector.shape_cast %reduce_sum3A_19 : vector<1024xf32> to vector<1024x1xf32>
    %jit3A_21 = arith.constant 0.000000e+00 : f32
    %broadcast_in_dim3A_22 = vector.broadcast %jit3A_21 : f32 to vector<1024x2000xf32>
    %select_n3A_23 = arith.select %and3A, %dot_general3A_9, %broadcast_in_dim3A_22 : vector<1024x2000xi1>, vector<1024x2000xf32>
    %reduce_sum3A_24 = arith.constant dense<0.000000e+00> : vector<1024xf32>
    %reduce_sum3A_25 = vector.multi_reduction <add>, %select_n3A_23, %reduce_sum3A_24 [1] : vector<1024x2000xf32> to vector<1024xf32>
    %broadcast_in_dim3A_26 = vector.shape_cast %reduce_sum3A_25 : vector<1024xf32> to vector<1024x1xf32>
    %convert_element_type3A_27 = arith.extui %and3A : vector<1024x2000xi1> to vector<1024x2000xi32>
    %convert_element_type3A_28 = arith.sitofp %convert_element_type3A_27 : vector<1024x2000xi32> to vector<1024x2000xf32>
    %reduce_sum3A_29 = arith.constant dense<0.000000e+00> : vector<1024xf32>
    %reduce_sum3A_30 = vector.multi_reduction <add>, %convert_element_type3A_28, %reduce_sum3A_29 [1] : vector<1024x2000xf32> to vector<1024xf32>
    %broadcast_in_dim3A_31 = vector.shape_cast %reduce_sum3A_30 : vector<1024xf32> to vector<1024x1xf32>
    %slice3A_32 = vector.extract_strided_slice %get3A_2 {offsets = [0, 0, 0], sizes = [100, 50, 512], strides = [1, 1, 1]} : vector<100x56x512xf32> to vector<100x50x512xf32>
    %reduce_sum3A_33 = arith.constant dense<0.000000e+00> : vector<100x512xf32>
    %reduce_sum3A_34 = vector.multi_reduction <add>, %slice3A_32, %reduce_sum3A_33 [1] : vector<100x50x512xf32> to vector<100x512xf32>
    %get3A_35 = arith.constant 0 : index
    %get3A_36 = arith.constant 0 : index
    %get3A_37 = vector.load %arg3[%get3A_35, %get3A_36] : memref<1024x512xbf16, #tpu.memory_space<vmem>>, vector<1024x512xbf16>
    %convert_element_type3A_38 = arith.truncf %reduce_sum3A_34 : vector<100x512xf32> to vector<100x512xbf16>
    %dot_general3A_39 = arith.constant dense<0.000000e+00> : vector<1024x100xf32>
    %dot_general3A_40 = tpu.matmul %get3A_37, %convert_element_type3A_38, %dot_general3A_39 {dimension_numbers = #tpu.dot_dimension_numbers<[1], [1], [0], [0], [0, 0, 1, 0], [], []>, transpose_lhs_hint = false} : vector<1024x512xbf16>, vector<100x512xbf16>, vector<1024x100xf32> -> vector<1024x100xf32>
    %iota3A = tpu.iota {dimensions = array<i32: 1>} : vector<1024x100xi32>
    %mul3A_41 = arith.constant 100 : i32
    %mul3A_42 = arith.muli %arg0, %mul3A_41 : i32
    %add3A_43 = vector.broadcast %mul3A_42 : i32 to vector<1024x100xi32>
    %add3A_44 = arith.addi %iota3A, %add3A_43 : vector<1024x100xi32>
    %eq3A = vector.broadcast %get3A_5 : vector<1024x1xi32> to vector<1024x100xi32>
    %eq3A_45 = arith.cmpi eq, %add3A_44, %eq3A : vector<1024x100xi32>
    %jit3A_46 = arith.constant 0.000000e+00 : f32
    %broadcast_in_dim3A_47 = vector.broadcast %jit3A_46 : f32 to vector<1024x100xf32>
    %select_n3A_48 = arith.select %eq3A_45, %dot_general3A_40, %broadcast_in_dim3A_47 : vector<1024x100xi1>, vector<1024x100xf32>
    %reduce_sum3A_49 = arith.constant dense<0.000000e+00> : vector<1024xf32>
    %reduce_sum3A_50 = vector.multi_reduction <add>, %select_n3A_48, %reduce_sum3A_49 [1] : vector<1024x100xf32> to vector<1024xf32>
    %broadcast_in_dim3A_51 = vector.shape_cast %reduce_sum3A_50 : vector<1024xf32> to vector<1024x1xf32>
    %eq3A_52 = arith.constant 0 : i32
    %eq3A_53 = arith.cmpi eq, %arg0, %eq3A_52 : i32
    %convert_element_type3A_54 = arith.extui %eq3A_53 : i1 to i32
    %cond3A = arith.constant 0 : i32
    %cond3A_55 = arith.cmpi ne, %convert_element_type3A_54, %cond3A : i32
    scf.if %cond3A_55 {
      %swap3A = arith.constant 0 : index
      %swap3A_61 = arith.constant 0 : index
      %swap3A_62 = vector.load %arg5[%swap3A, %swap3A_61] : memref<1024x1xf32, #tpu.memory_space<vmem>>, vector<1024x1xf32>
      tpu.vector_store %arg5[%swap3A, %swap3A_61], %broadcast_in_dim3A_20 {strides = array<i32>} : memref<1024x1xf32, #tpu.memory_space<vmem>>, vector<1024x1xf32>,
      %swap3A_63 = arith.constant 0 : index
      %swap3A_64 = arith.constant 0 : index
      %swap3A_65 = vector.load %arg6[%swap3A_63, %swap3A_64] : memref<1024x1xf32, #tpu.memory_space<vmem>>, vector<1024x1xf32>
      tpu.vector_store %arg6[%swap3A_63, %swap3A_64], %broadcast_in_dim3A_26 {strides = array<i32>} : memref<1024x1xf32, #tpu.memory_space<vmem>>, vector<1024x1xf32>,
      %swap3A_66 = arith.constant 0 : index
      %swap3A_67 = arith.constant 0 : index
      %swap3A_68 = vector.load %arg7[%swap3A_66, %swap3A_67] : memref<1024x1xf32, #tpu.memory_space<vmem>>, vector<1024x1xf32>
      tpu.vector_store %arg7[%swap3A_66, %swap3A_67], %broadcast_in_dim3A_31 {strides = array<i32>} : memref<1024x1xf32, #tpu.memory_space<vmem>>, vector<1024x1xf32>,
      %swap3A_69 = arith.constant 0 : index
      %swap3A_70 = arith.constant 0 : index
      %swap3A_71 = vector.load %arg8[%swap3A_69, %swap3A_70] : memref<1024x1xf32, #tpu.memory_space<vmem>>, vector<1024x1xf32>
      tpu.vector_store %arg8[%swap3A_69, %swap3A_70], %broadcast_in_dim3A_51 {strides = array<i32>} : memref<1024x1xf32, #tpu.memory_space<vmem>>, vector<1024x1xf32>,
    } else {
    }
    %gt3A_56 = arith.constant 0 : i32
    %gt3A_57 = arith.cmpi sgt, %arg0, %gt3A_56 : i32
    %convert_element_type3A_58 = arith.extui %gt3A_57 : i1 to i32
    %cond3A_59 = arith.constant 0 : i32
    %cond3A_60 = arith.cmpi ne, %convert_element_type3A_58, %cond3A_59 : i32
    scf.if %cond3A_60 {
      %get3A_61 = arith.constant 0 : index
      %get3A_62 = arith.constant 0 : index
      %get3A_63 = vector.load %arg5[%get3A_61, %get3A_62] : memref<1024x1xf32, #tpu.memory_space<vmem>>, vector<1024x1xf32>
      %add3A_64 = arith.addf %get3A_63, %broadcast_in_dim3A_20 : vector<1024x1xf32>
      %swap3A = arith.constant 0 : index
      %swap3A_65 = arith.constant 0 : index
      %swap3A_66 = vector.load %arg5[%swap3A, %swap3A_65] : memref<1024x1xf32, #tpu.memory_space<vmem>>, vector<1024x1xf32>
      tpu.vector_store %arg5[%swap3A, %swap3A_65], %add3A_64 {strides = array<i32>} : memref<1024x1xf32, #tpu.memory_space<vmem>>, vector<1024x1xf32>,
      %get3A_67 = arith.constant 0 : index
      %get3A_68 = arith.constant 0 : index
      %get3A_69 = vector.load %arg6[%get3A_67, %get3A_68] : memref<1024x1xf32, #tpu.memory_space<vmem>>, vector<1024x1xf32>
      %add3A_70 = arith.addf %get3A_69, %broadcast_in_dim3A_26 : vector<1024x1xf32>
      %swap3A_71 = arith.constant 0 : index
      %swap3A_72 = arith.constant 0 : index
      %swap3A_73 = vector.load %arg6[%swap3A_71, %swap3A_72] : memref<1024x1xf32, #tpu.memory_space<vmem>>, vector<1024x1xf32>
      tpu.vector_store %arg6[%swap3A_71, %swap3A_72], %add3A_70 {strides = array<i32>} : memref<1024x1xf32, #tpu.memory_space<vmem>>, vector<1024x1xf32>,
      %get3A_74 = arith.constant 0 : index
      %get3A_75 = arith.constant 0 : index
      %get3A_76 = vector.load %arg7[%get3A_74, %get3A_75] : memref<1024x1xf32, #tpu.memory_space<vmem>>, vector<1024x1xf32>
      %add3A_77 = arith.addf %get3A_76, %broadcast_in_dim3A_31 : vector<1024x1xf32>
      %swap3A_78 = arith.constant 0 : index
      %swap3A_79 = arith.constant 0 : index
      %swap3A_80 = vector.load %arg7[%swap3A_78, %swap3A_79] : memref<1024x1xf32, #tpu.memory_space<vmem>>, vector<1024x1xf32>
      tpu.vector_store %arg7[%swap3A_78, %swap3A_79], %add3A_77 {strides = array<i32>} : memref<1024x1xf32, #tpu.memory_space<vmem>>, vector<1024x1xf32>,
      %get3A_81 = arith.constant 0 : index
      %get3A_82 = arith.constant 0 : index
      %get3A_83 = vector.load %arg8[%get3A_81, %get3A_82] : memref<1024x1xf32, #tpu.memory_space<vmem>>, vector<1024x1xf32>
      %add3A_84 = arith.addf %get3A_83, %broadcast_in_dim3A_51 : vector<1024x1xf32>
      %swap3A_85 = arith.constant 0 : index
      %swap3A_86 = arith.constant 0 : index
      %swap3A_87 = vector.load %arg8[%swap3A_85, %swap3A_86] : memref<1024x1xf32, #tpu.memory_space<vmem>>, vector<1024x1xf32>
      tpu.vector_store %arg8[%swap3A_85, %swap3A_86], %add3A_84 {strides = array<i32>} : memref<1024x1xf32, #tpu.memory_space<vmem>>, vector<1024x1xf32>,
    } else {
    }
    return
  }
  func.func @transform_0(%arg0: i32) -> (i32, i32) {
    %c0_i32 = arith.constant 0 : i32
    %c0_i32_0 = arith.constant 0 : i32
    %c0_i32_1 = arith.constant 0 : i32
    return %c0_i32, %c0_i32_0 : i32, i32
  }
  func.func @transform_1(%arg0: i32) -> (i32, i32, i32) {
    %c0_i32 = arith.constant 0 : i32
    %c0_i32_0 = arith.constant 0 : i32
    %c0_i32_1 = arith.constant 0 : i32
    return %arg0, %c0_i32, %c0_i32_0 : i32, i32, i32
  }
  func.func @transform_2(%arg0: i32) -> (i32, i32) {
    %c0_i32 = arith.constant 0 : i32
    %c0_i32_0 = arith.constant 0 : i32
    %c0_i32_1 = arith.constant 0 : i32
    return %c0_i32, %c0_i32_0 : i32, i32
  }
  func.func @transform_3(%arg0: i32) -> (i32, i32) {
    %c0_i32 = arith.constant 0 : i32
    %c0_i32_0 = arith.constant 0 : i32
    %c0_i32_1 = arith.constant 0 : i32
    return %c0_i32, %c0_i32_0 : i32, i32
  }
  func.func @transform_4(%arg0: i32) -> (i32, i32) {
    %c0_i32 = arith.constant 0 : i32
    %c0_i32_0 = arith.constant 0 : i32
    %c0_i32_1 = arith.constant 0 : i32
    return %c0_i32, %c0_i32_0 : i32, i32
  }
  func.func @transform_5(%arg0: i32) -> (i32, i32) {
    %c0_i32 = arith.constant 0 : i32
    %c0_i32_0 = arith.constant 0 : i32
    %c0_i32_1 = arith.constant 0 : i32
    return %c0_i32, %c0_i32_0 : i32, i32
  }
  func.func @transform_6(%arg0: i32) -> (i32, i32) {
    %c0_i32 = arith.constant 0 : i32
    %c0_i32_0 = arith.constant 0 : i32
    %c0_i32_1 = arith.constant 0 : i32
    return %c0_i32, %c0_i32_0 : i32, i32
  }
  func.func @transform_7(%arg0: i32) -> (i32, i32) {
    %c0_i32 = arith.constant 0 : i32
    %c0_i32_0 = arith.constant 0 : i32
    %c0_i32_1 = arith.constant 0 : i32
    return %c0_i32, %c0_i32_0 : i32, i32
  }
}

module attributes {stable_mosaic.version = 14 : i64} {
  func.func @_combine_body(%arg0: i32, %arg1: memref<256x512xbf16, #tpu.memory_space<vmem>>, %arg2: memref<1024x512xbf16, #tpu.memory_space<vmem>>, %arg3: memref<1024x512xf32, #tpu.memory_space<vmem>>, %arg4: memref<256x1xi32, #tpu.memory_space<vmem>>, %arg5: memref<1x1024xi32, #tpu.memory_space<vmem>>, %arg6: memref<1x1024xi32, #tpu.memory_space<vmem>>, %arg7: memref<1x1024xi32, #tpu.memory_space<vmem>>, %arg8: memref<256x1xi32, #tpu.memory_space<vmem>>, %arg9: memref<256x1xi32, #tpu.memory_space<vmem>>, %arg10: memref<256x1xf32, #tpu.memory_space<vmem>>, %arg11: memref<256x1xf32, #tpu.memory_space<vmem>>, %arg12: memref<256x1xf32, #tpu.memory_space<vmem>>, %arg13: memref<256x1xf32, #tpu.memory_space<vmem>>, %arg14: memref<1x1xf32, #tpu.memory_space<vmem>>) attributes {dimension_semantics = [#tpu.dimension_semantics<arbitrary>], iteration_bounds = array<i64: 4>, scalar_prefetch = 0 : i64, scratch_operands = 0 : i64, tpu.core_type = #tpu.core_type<tc>, window_params = [{transform_indices = @transform_0, window_bounds = array<i64: 256, 512>}, {pipeline_mode = #tpu.pipeline_mode<synchronous>, transform_indices = @transform_1, window_bounds = array<i64: 1024, 512>}, {pipeline_mode = #tpu.pipeline_mode<synchronous>, transform_indices = @transform_2, window_bounds = array<i64: 1024, 512>}, {transform_indices = @transform_3, window_bounds = array<i64: 256, 1>}, {pipeline_mode = #tpu.pipeline_mode<synchronous>, transform_indices = @transform_4, window_bounds = array<i64: 1, 1024>}, {pipeline_mode = #tpu.pipeline_mode<synchronous>, transform_indices = @transform_5, window_bounds = array<i64: 1, 1024>}, {pipeline_mode = #tpu.pipeline_mode<synchronous>, transform_indices = @transform_6, window_bounds = array<i64: 1, 1024>}, {transform_indices = @transform_7, window_bounds = array<i64: 256, 1>}, {transform_indices = @transform_8, window_bounds = array<i64: 256, 1>}, {transform_indices = @transform_9, window_bounds = array<i64: 256, 1>}, {transform_indices = @transform_10, window_bounds = array<i64: 256, 1>}, {transform_indices = @transform_11, window_bounds = array<i64: 256, 1>}, {transform_indices = @transform_12, window_bounds = array<i64: 256, 1>}, {pipeline_mode = #tpu.pipeline_mode<synchronous>, transform_indices = @transform_13, window_bounds = array<i64: 1, 1>}]} {
    %get3A = arith.constant 0 : index
    %get3A_0 = arith.constant 0 : index
    %get3A_1 = vector.load %arg1[%get3A, %get3A_0] : memref<256x512xbf16, #tpu.memory_space<vmem>>, vector<256x512xbf16>
    %get3A_2 = arith.constant 0 : index
    %get3A_3 = arith.constant 0 : index
    %get3A_4 = vector.load %arg2[%get3A_2, %get3A_3] : memref<1024x512xbf16, #tpu.memory_space<vmem>>, vector<1024x512xbf16>
    %dot_general3A = arith.constant dense<0.000000e+00> : vector<256x1024xf32>
    %dot_general3A_5 = tpu.matmul %get3A_1, %get3A_4, %dot_general3A {dimension_numbers = #tpu.dot_dimension_numbers<[1], [1], [0], [0], [0, 0, 1, 0], [], []>, transpose_lhs_hint = false} : vector<256x512xbf16>, vector<1024x512xbf16>, vector<256x1024xf32> -> vector<256x1024xf32>
    %get3A_6 = arith.constant 0 : index
    %get3A_7 = arith.constant 0 : index
    %get3A_8 = vector.load %arg3[%get3A_6, %get3A_7] : memref<1024x512xf32, #tpu.memory_space<vmem>>, vector<1024x512xf32>
    %convert_element_type3A = arith.truncf %get3A_8 : vector<1024x512xf32> to vector<1024x512xbf16>
    %dot_general3A_9 = arith.constant dense<0.000000e+00> : vector<256x1024xf32>
    %dot_general3A_10 = tpu.matmul %get3A_1, %convert_element_type3A, %dot_general3A_9 {dimension_numbers = #tpu.dot_dimension_numbers<[1], [1], [0], [0], [0, 0, 1, 0], [], []>, transpose_lhs_hint = false} : vector<256x512xbf16>, vector<1024x512xbf16>, vector<256x1024xf32> -> vector<256x1024xf32>
    %get3A_11 = arith.constant 0 : index
    %get3A_12 = arith.constant 0 : index
    %get3A_13 = vector.load %arg4[%get3A_11, %get3A_12] : memref<256x1xi32, #tpu.memory_space<vmem>>, vector<256x1xi32>
    %get3A_14 = arith.constant 0 : index
    %get3A_15 = arith.constant 0 : index
    %get3A_16 = vector.load %arg5[%get3A_14, %get3A_15] : memref<1x1024xi32, #tpu.memory_space<vmem>>, vector<1x1024xi32>
    %eq3A = vector.broadcast %get3A_13 : vector<256x1xi32> to vector<256x1024xi32>
    %eq3A_17 = vector.broadcast %get3A_16 : vector<1x1024xi32> to vector<256x1024xi32>
    %eq3A_18 = arith.cmpi eq, %eq3A, %eq3A_17 : vector<256x1024xi32>
    %get3A_19 = arith.constant 0 : index
    %get3A_20 = arith.constant 0 : index
    %get3A_21 = vector.load %arg6[%get3A_19, %get3A_20] : memref<1x1024xi32, #tpu.memory_space<vmem>>, vector<1x1024xi32>
    %get3A_22 = arith.constant 0 : index
    %get3A_23 = arith.constant 0 : index
    %get3A_24 = vector.load %arg7[%get3A_22, %get3A_23] : memref<1x1024xi32, #tpu.memory_space<vmem>>, vector<1x1024xi32>
    %jit3A = arith.constant 200 : i32
    %eq3A_25 = arith.constant 0 : i32
    %eq3A_26 = arith.cmpi eq, %jit3A, %eq3A_25 : i32
    %jit3A_27 = arith.constant 1 : i32
    %select_n3A = arith.select %eq3A_26, %jit3A_27, %jit3A : i32
    %rem3A = vector.broadcast %select_n3A : i32 to vector<1x1024xi32>
    %rem3A_28 = arith.remsi %get3A_21, %rem3A : vector<1x1024xi32>
    %ne3A = arith.constant 0 : i32
    %ne3A_29 = vector.broadcast %ne3A : i32 to vector<1x1024xi32>
    %ne3A_30 = arith.cmpi ne, %rem3A_28, %ne3A_29 : vector<1x1024xi32>
    %lt3A = arith.constant 0 : i32
    %lt3A_31 = vector.broadcast %lt3A : i32 to vector<1x1024xi32>
    %lt3A_32 = arith.cmpi slt, %rem3A_28, %lt3A_31 : vector<1x1024xi32>
    %lt3A_33 = arith.constant 0 : i32
    %lt3A_34 = arith.cmpi slt, %select_n3A, %lt3A_33 : i32
    %ne3A_35 = vector.broadcast %lt3A_34 : i1 to vector<1x1024xi1>
    %ne3A_36 = vector.broadcast %ne3A_35 : vector<1x1024xi1> to vector<1x1024xi1>
    %ne3A_37 = arith.xori %lt3A_32, %ne3A_36 : vector<1x1024xi1>
    %and3A = arith.andi %ne3A_37, %ne3A_30 : vector<1x1024xi1>
    %add3A = vector.broadcast %select_n3A : i32 to vector<1x1024xi32>
    %add3A_38 = arith.addi %rem3A_28, %add3A : vector<1x1024xi32>
    %select_n3A_39 = arith.select %and3A, %add3A_38, %rem3A_28 : vector<1x1024xi1>, vector<1x1024xi32>
    %add3A_40 = arith.constant 200 : i32
    %add3A_41 = vector.broadcast %add3A_40 : i32 to vector<1x1024xi32>
    %add3A_42 = arith.addi %get3A_21, %add3A_41 : vector<1x1024xi32>
    %ge3A = arith.cmpi sge, %add3A_42, %get3A_24 : vector<1x1024xi32>
    %lt3A_43 = arith.constant 20 : i32
    %lt3A_44 = vector.broadcast %lt3A_43 : i32 to vector<1x1024xi32>
    %lt3A_45 = arith.cmpi slt, %select_n3A_39, %lt3A_44 : vector<1x1024xi32>
    %and3A_46 = arith.andi %ge3A, %lt3A_45 : vector<1x1024xi1>
    %lt3A_47 = arith.constant 50 : i32
    %lt3A_48 = vector.broadcast %lt3A_47 : i32 to vector<1x1024xi32>
    %lt3A_49 = arith.cmpi slt, %select_n3A_39, %lt3A_48 : vector<1x1024xi32>
    %and3A_50 = arith.andi %ge3A, %lt3A_49 : vector<1x1024xi1>
    %get3A_51 = arith.constant 0 : index
    %get3A_52 = arith.constant 0 : index
    %get3A_53 = vector.load %arg8[%get3A_51, %get3A_52] : memref<256x1xi32, #tpu.memory_space<vmem>>, vector<256x1xi32>
    %gt3A = arith.constant 1 : i32
    %gt3A_54 = vector.broadcast %gt3A : i32 to vector<256x1xi32>
    %gt3A_55 = arith.cmpi sgt, %get3A_53, %gt3A_54 : vector<256x1xi32>
    %and3A_56 = vector.broadcast %gt3A_55 : vector<256x1xi1> to vector<256x1024xi1>
    %and3A_57 = arith.andi %eq3A_18, %and3A_56 : vector<256x1024xi1>
    %get3A_58 = arith.constant 0 : index
    %get3A_59 = arith.constant 0 : index
    %get3A_60 = vector.load %arg9[%get3A_58, %get3A_59] : memref<256x1xi32, #tpu.memory_space<vmem>>, vector<256x1xi32>
    %ne3A_61 = vector.broadcast %get3A_21 : vector<1x1024xi32> to vector<256x1024xi32>
    %ne3A_62 = vector.broadcast %get3A_60 : vector<256x1xi32> to vector<256x1024xi32>
    %ne3A_63 = arith.cmpi ne, %ne3A_61, %ne3A_62 : vector<256x1024xi32>
    %and3A_64 = arith.andi %and3A_57, %ne3A_63 : vector<256x1024xi1>
    %jit3A_65 = arith.constant 0.000000e+00 : f32
    %broadcast_in_dim3A = vector.broadcast %jit3A_65 : f32 to vector<256x1024xf32>
    %select_n3A_66 = arith.select %and3A_64, %dot_general3A_5, %broadcast_in_dim3A : vector<256x1024xi1>, vector<256x1024xf32>
    %reduce_sum3A = arith.constant dense<0.000000e+00> : vector<256xf32>
    %reduce_sum3A_67 = vector.multi_reduction <add>, %select_n3A_66, %reduce_sum3A [1] : vector<256x1024xf32> to vector<256xf32>
    %broadcast_in_dim3A_68 = vector.shape_cast %reduce_sum3A_67 : vector<256xf32> to vector<256x1xf32>
    %convert_element_type3A_69 = arith.extui %and3A_64 : vector<256x1024xi1> to vector<256x1024xi32>
    %convert_element_type3A_70 = arith.sitofp %convert_element_type3A_69 : vector<256x1024xi32> to vector<256x1024xf32>
    %reduce_sum3A_71 = arith.constant dense<0.000000e+00> : vector<256xf32>
    %reduce_sum3A_72 = vector.multi_reduction <add>, %convert_element_type3A_70, %reduce_sum3A_71 [1] : vector<256x1024xf32> to vector<256xf32>
    %broadcast_in_dim3A_73 = vector.shape_cast %reduce_sum3A_72 : vector<256xf32> to vector<256x1xf32>
    %and3A_74 = vector.broadcast %and3A_50 : vector<1x1024xi1> to vector<256x1024xi1>
    %and3A_75 = arith.andi %eq3A_18, %and3A_74 : vector<256x1024xi1>
    %sub3A = arith.subf %dot_general3A_5, %dot_general3A_10 : vector<256x1024xf32>
    %jit3A_76 = arith.constant 0.000000e+00 : f32
    %broadcast_in_dim3A_77 = vector.broadcast %jit3A_76 : f32 to vector<256x1024xf32>
    %select_n3A_78 = arith.select %and3A_75, %sub3A, %broadcast_in_dim3A_77 : vector<256x1024xi1>, vector<256x1024xf32>
    %reduce_sum3A_79 = arith.constant dense<0.000000e+00> : vector<256xf32>
    %reduce_sum3A_80 = vector.multi_reduction <add>, %select_n3A_78, %reduce_sum3A_79 [1] : vector<256x1024xf32> to vector<256xf32>
    %broadcast_in_dim3A_81 = vector.shape_cast %reduce_sum3A_80 : vector<256xf32> to vector<256x1xf32>
    %get3A_82 = arith.constant 0 : index
    %get3A_83 = arith.constant 0 : index
    %get3A_84 = vector.load %arg13[%get3A_82, %get3A_83] : memref<256x1xf32, #tpu.memory_space<vmem>>, vector<256x1xf32>
    %add3A_85 = arith.addf %get3A_84, %broadcast_in_dim3A_81 : vector<256x1xf32>
    %mul3A = arith.constant 14.2857141 : f32
    %mul3A_86 = vector.broadcast %mul3A : f32 to vector<256x1xf32>
    %mul3A_87 = arith.mulf %add3A_85, %mul3A_86 : vector<256x1xf32>
    %not3A = arith.constant dense<true> : vector<256x1024xi1>
    %not3A_88 = arith.xori %eq3A_18, %not3A : vector<256x1024xi1>
    %and3A_89 = vector.broadcast %and3A_46 : vector<1x1024xi1> to vector<256x1024xi1>
    %and3A_90 = arith.andi %and3A_89, %not3A_88 : vector<256x1024xi1>
    %gt3A_91 = arith.constant 3.500000e-02 : f32
    %gt3A_92 = vector.broadcast %gt3A_91 : f32 to vector<256x1024xf32>
    %gt3A_93 = arith.cmpf ogt, %dot_general3A_5, %gt3A_92 : vector<256x1024xf32>
    %gt3A_94 = arith.constant 3.500000e-02 : f32
    %gt3A_95 = vector.broadcast %gt3A_94 : f32 to vector<256x1024xf32>
    %gt3A_96 = arith.cmpf ogt, %dot_general3A_10, %gt3A_95 : vector<256x1024xf32>
    %sub3A_97 = arith.subf %dot_general3A_5, %dot_general3A_10 : vector<256x1024xf32>
    %jit3A_98 = arith.constant 0.000000e+00 : f32
    %broadcast_in_dim3A_99 = vector.broadcast %jit3A_98 : f32 to vector<256x1024xf32>
    %select_n3A_100 = arith.select %and3A_90, %sub3A_97, %broadcast_in_dim3A_99 : vector<256x1024xi1>, vector<256x1024xf32>
    %reduce_sum3A_101 = arith.constant dense<0.000000e+00> : vector<256xf32>
    %reduce_sum3A_102 = vector.multi_reduction <add>, %select_n3A_100, %reduce_sum3A_101 [1] : vector<256x1024xf32> to vector<256xf32>
    %broadcast_in_dim3A_103 = vector.shape_cast %reduce_sum3A_102 : vector<256xf32> to vector<256x1xf32>
    %convert_element_type3A_104 = arith.extui %gt3A_93 : vector<256x1024xi1> to vector<256x1024xi32>
    %convert_element_type3A_105 = arith.sitofp %convert_element_type3A_104 : vector<256x1024xi32> to vector<256x1024xf32>
    %convert_element_type3A_106 = arith.extui %gt3A_96 : vector<256x1024xi1> to vector<256x1024xi32>
    %convert_element_type3A_107 = arith.sitofp %convert_element_type3A_106 : vector<256x1024xi32> to vector<256x1024xf32>
    %sub3A_108 = arith.subf %convert_element_type3A_105, %convert_element_type3A_107 : vector<256x1024xf32>
    %jit3A_109 = arith.constant 0.000000e+00 : f32
    %broadcast_in_dim3A_110 = vector.broadcast %jit3A_109 : f32 to vector<256x1024xf32>
    %select_n3A_111 = arith.select %and3A_90, %sub3A_108, %broadcast_in_dim3A_110 : vector<256x1024xi1>, vector<256x1024xf32>
    %reduce_sum3A_112 = arith.constant dense<0.000000e+00> : vector<256xf32>
    %reduce_sum3A_113 = vector.multi_reduction <add>, %select_n3A_111, %reduce_sum3A_112 [1] : vector<256x1024xf32> to vector<256xf32>
    %broadcast_in_dim3A_114 = vector.shape_cast %reduce_sum3A_113 : vector<256xf32> to vector<256x1xf32>
    %jit3A_115 = arith.constant 0.000000e+00 : f32
    %broadcast_in_dim3A_116 = vector.broadcast %jit3A_115 : f32 to vector<256x1024xf32>
    %select_n3A_117 = arith.select %gt3A_93, %dot_general3A_5, %broadcast_in_dim3A_116 : vector<256x1024xi1>, vector<256x1024xf32>
    %jit3A_118 = arith.constant 0.000000e+00 : f32
    %broadcast_in_dim3A_119 = vector.broadcast %jit3A_118 : f32 to vector<256x1024xf32>
    %select_n3A_120 = arith.select %gt3A_96, %dot_general3A_10, %broadcast_in_dim3A_119 : vector<256x1024xi1>, vector<256x1024xf32>
    %sub3A_121 = arith.subf %select_n3A_117, %select_n3A_120 : vector<256x1024xf32>
    %jit3A_122 = arith.constant 0.000000e+00 : f32
    %broadcast_in_dim3A_123 = vector.broadcast %jit3A_122 : f32 to vector<256x1024xf32>
    %select_n3A_124 = arith.select %and3A_90, %sub3A_121, %broadcast_in_dim3A_123 : vector<256x1024xi1>, vector<256x1024xf32>
    %reduce_sum3A_125 = arith.constant dense<0.000000e+00> : vector<256xf32>
    %reduce_sum3A_126 = vector.multi_reduction <add>, %select_n3A_124, %reduce_sum3A_125 [1] : vector<256x1024xf32> to vector<256xf32>
    %broadcast_in_dim3A_127 = vector.shape_cast %reduce_sum3A_126 : vector<256xf32> to vector<256x1xf32>
    %get3A_128 = arith.constant 0 : index
    %get3A_129 = arith.constant 0 : index
    %get3A_130 = vector.load %arg10[%get3A_128, %get3A_129] : memref<256x1xf32, #tpu.memory_space<vmem>>, vector<256x1xf32>
    %add3A_131 = arith.addf %get3A_130, %broadcast_in_dim3A_103 : vector<256x1xf32>
    %mul3A_132 = arith.constant 14.2857141 : f32
    %mul3A_133 = vector.broadcast %mul3A_132 : f32 to vector<256x1xf32>
    %mul3A_134 = arith.mulf %add3A_131, %mul3A_133 : vector<256x1xf32>
    %get3A_135 = arith.constant 0 : index
    %get3A_136 = arith.constant 0 : index
    %get3A_137 = vector.load %arg11[%get3A_135, %get3A_136] : memref<256x1xf32, #tpu.memory_space<vmem>>, vector<256x1xf32>
    %add3A_138 = arith.addf %get3A_137, %broadcast_in_dim3A_127 : vector<256x1xf32>
    %mul3A_139 = arith.constant 14.2857141 : f32
    %mul3A_140 = vector.broadcast %mul3A_139 : f32 to vector<256x1xf32>
    %mul3A_141 = arith.mulf %add3A_138, %mul3A_140 : vector<256x1xf32>
    %get3A_142 = arith.constant 0 : index
    %get3A_143 = arith.constant 0 : index
    %get3A_144 = vector.load %arg12[%get3A_142, %get3A_143] : memref<256x1xf32, #tpu.memory_space<vmem>>, vector<256x1xf32>
    %add3A_145 = arith.addf %get3A_144, %broadcast_in_dim3A_114 : vector<256x1xf32>
    %mul3A_146 = arith.constant 14.2857141 : f32
    %mul3A_147 = vector.broadcast %mul3A_146 : f32 to vector<256x1xf32>
    %mul3A_148 = arith.mulf %broadcast_in_dim3A_68, %mul3A_147 : vector<256x1xf32>
    %add3A_149 = arith.addf %mul3A_148, %mul3A_87 : vector<256x1xf32>
    %neg3A = arith.constant 0.000000e+00 : f32
    %neg3A_150 = vector.broadcast %neg3A : f32 to vector<256x1xf32>
    %neg3A_151 = arith.subf %neg3A_150, %add3A_149 : vector<256x1xf32>
    %add3A_152 = arith.constant 5.000000e+01 : f32
    %add3A_153 = vector.broadcast %add3A_152 : f32 to vector<256x1xf32>
    %add3A_154 = arith.addf %broadcast_in_dim3A_73, %add3A_153 : vector<256x1xf32>
    %div3A = arith.divf %neg3A_151, %add3A_154 : vector<256x1xf32>
    %gt3A_155 = arith.constant 0.000000e+00 : f32
    %gt3A_156 = vector.broadcast %gt3A_155 : f32 to vector<256x1xf32>
    %gt3A_157 = arith.cmpf ogt, %add3A_145, %gt3A_156 : vector<256x1xf32>
    %max3A = arith.constant 1.000000e+00 : f32
    %max3A_158 = vector.broadcast %max3A : f32 to vector<256x1xf32>
    %max3A_159 = arith.maximumf %add3A_145, %max3A_158 : vector<256x1xf32>
    %div3A_160 = arith.divf %mul3A_141, %max3A_159 : vector<256x1xf32>
    %div3A_161 = arith.constant 1.998000e+04 : f32
    %div3A_162 = vector.broadcast %div3A_161 : f32 to vector<256x1xf32>
    %div3A_163 = arith.divf %mul3A_134, %div3A_162 : vector<256x1xf32>
    %select_n3A_164 = arith.select %gt3A_157, %div3A_160, %div3A_163 : vector<256x1xi1>, vector<256x1xf32>
    %add3A_165 = arith.addf %div3A, %select_n3A_164 : vector<256x1xf32>
    %reduce_sum3A_166 = arith.constant dense<0.000000e+00> : vector<1xf32>
    %reduce_sum3A_167 = vector.multi_reduction <add>, %add3A_165, %reduce_sum3A_166 [0] : vector<256x1xf32> to vector<1xf32>
    %broadcast_in_dim3A_168 = vector.shape_cast %reduce_sum3A_167 : vector<1xf32> to vector<1x1xf32>
    %eq3A_169 = arith.constant 0 : i32
    %eq3A_170 = arith.cmpi eq, %arg0, %eq3A_169 : i32
    %convert_element_type3A_171 = arith.extui %eq3A_170 : i1 to i32
    %cond3A = arith.constant 0 : i32
    %cond3A_172 = arith.cmpi ne, %convert_element_type3A_171, %cond3A : i32
    scf.if %cond3A_172 {
      %swap3A = arith.constant 0 : index
      %swap3A_183 = arith.constant 0 : index
      %swap3A_184 = vector.load %arg14[%swap3A, %swap3A_183] : memref<1x1xf32, #tpu.memory_space<vmem>>, vector<1x1xf32>
      tpu.vector_store %arg14[%swap3A, %swap3A_183], %broadcast_in_dim3A_168 {strides = array<i32>} : memref<1x1xf32, #tpu.memory_space<vmem>>, vector<1x1xf32>,
    } else {
    }
    %gt3A_173 = arith.constant 0 : i32
    %gt3A_174 = arith.cmpi sgt, %arg0, %gt3A_173 : i32
    %convert_element_type3A_175 = arith.extui %gt3A_174 : i1 to i32
    %cond3A_176 = arith.constant 0 : i32
    %cond3A_177 = arith.cmpi ne, %convert_element_type3A_175, %cond3A_176 : i32
    scf.if %cond3A_177 {
      %get3A_183 = arith.constant 0 : index
      %get3A_184 = arith.constant 0 : index
      %get3A_185 = vector.load %arg14[%get3A_183, %get3A_184] : memref<1x1xf32, #tpu.memory_space<vmem>>, vector<1x1xf32>
      %add3A_186 = arith.addf %get3A_185, %broadcast_in_dim3A_168 : vector<1x1xf32>
      %swap3A = arith.constant 0 : index
      %swap3A_187 = arith.constant 0 : index
      %swap3A_188 = vector.load %arg14[%swap3A, %swap3A_187] : memref<1x1xf32, #tpu.memory_space<vmem>>, vector<1x1xf32>
      tpu.vector_store %arg14[%swap3A, %swap3A_187], %add3A_186 {strides = array<i32>} : memref<1x1xf32, #tpu.memory_space<vmem>>, vector<1x1xf32>,
    } else {
    }
    %eq3A_178 = arith.constant 3 : i32
    %eq3A_179 = arith.cmpi eq, %arg0, %eq3A_178 : i32
    %convert_element_type3A_180 = arith.extui %eq3A_179 : i1 to i32
    %cond3A_181 = arith.constant 0 : i32
    %cond3A_182 = arith.cmpi ne, %convert_element_type3A_180, %cond3A_181 : i32
    scf.if %cond3A_182 {
      %get3A_183 = arith.constant 0 : index
      %get3A_184 = arith.constant 0 : index
      %get3A_185 = vector.load %arg14[%get3A_183, %get3A_184] : memref<1x1xf32, #tpu.memory_space<vmem>>, vector<1x1xf32>
      %mul3A_186 = arith.constant 9.765625E-4 : f32
      %mul3A_187 = vector.broadcast %mul3A_186 : f32 to vector<1x1xf32>
      %mul3A_188 = arith.mulf %get3A_185, %mul3A_187 : vector<1x1xf32>
      %swap3A = arith.constant 0 : index
      %swap3A_189 = arith.constant 0 : index
      %swap3A_190 = vector.load %arg14[%swap3A, %swap3A_189] : memref<1x1xf32, #tpu.memory_space<vmem>>, vector<1x1xf32>
      tpu.vector_store %arg14[%swap3A, %swap3A_189], %mul3A_188 {strides = array<i32>} : memref<1x1xf32, #tpu.memory_space<vmem>>, vector<1x1xf32>,
    } else {
    }
    return
  }
  func.func @transform_0(%arg0: i32) -> (i32, i32) {
    %c0_i32 = arith.constant 0 : i32
    %c0_i32_0 = arith.constant 0 : i32
    return %arg0, %c0_i32 : i32, i32
  }
  func.func @transform_1(%arg0: i32) -> (i32, i32) {
    %c0_i32 = arith.constant 0 : i32
    %c0_i32_0 = arith.constant 0 : i32
    %c0_i32_1 = arith.constant 0 : i32
    return %c0_i32, %c0_i32_0 : i32, i32
  }
  func.func @transform_2(%arg0: i32) -> (i32, i32) {
    %c0_i32 = arith.constant 0 : i32
    %c0_i32_0 = arith.constant 0 : i32
    %c0_i32_1 = arith.constant 0 : i32
    return %c0_i32, %c0_i32_0 : i32, i32
  }
  func.func @transform_3(%arg0: i32) -> (i32, i32) {
    %c0_i32 = arith.constant 0 : i32
    %c0_i32_0 = arith.constant 0 : i32
    return %arg0, %c0_i32 : i32, i32
  }
  func.func @transform_4(%arg0: i32) -> (i32, i32) {
    %c0_i32 = arith.constant 0 : i32
    %c0_i32_0 = arith.constant 0 : i32
    %c0_i32_1 = arith.constant 0 : i32
    return %c0_i32, %c0_i32_0 : i32, i32
  }
  func.func @transform_5(%arg0: i32) -> (i32, i32) {
    %c0_i32 = arith.constant 0 : i32
    %c0_i32_0 = arith.constant 0 : i32
    %c0_i32_1 = arith.constant 0 : i32
    return %c0_i32, %c0_i32_0 : i32, i32
  }
  func.func @transform_6(%arg0: i32) -> (i32, i32) {
    %c0_i32 = arith.constant 0 : i32
    %c0_i32_0 = arith.constant 0 : i32
    %c0_i32_1 = arith.constant 0 : i32
    return %c0_i32, %c0_i32_0 : i32, i32
  }
  func.func @transform_7(%arg0: i32) -> (i32, i32) {
    %c0_i32 = arith.constant 0 : i32
    %c0_i32_0 = arith.constant 0 : i32
    return %arg0, %c0_i32 : i32, i32
  }
  func.func @transform_8(%arg0: i32) -> (i32, i32) {
    %c0_i32 = arith.constant 0 : i32
    %c0_i32_0 = arith.constant 0 : i32
    return %arg0, %c0_i32 : i32, i32
  }
  func.func @transform_9(%arg0: i32) -> (i32, i32) {
    %c0_i32 = arith.constant 0 : i32
    %c0_i32_0 = arith.constant 0 : i32
    return %arg0, %c0_i32 : i32, i32
  }
  func.func @transform_10(%arg0: i32) -> (i32, i32) {
    %c0_i32 = arith.constant 0 : i32
    %c0_i32_0 = arith.constant 0 : i32
    return %arg0, %c0_i32 : i32, i32
  }
  func.func @transform_11(%arg0: i32) -> (i32, i32) {
    %c0_i32 = arith.constant 0 : i32
    %c0_i32_0 = arith.constant 0 : i32
    return %arg0, %c0_i32 : i32, i32
  }
  func.func @transform_12(%arg0: i32) -> (i32, i32) {
    %c0_i32 = arith.constant 0 : i32
    %c0_i32_0 = arith.constant 0 : i32
    return %arg0, %c0_i32 : i32, i32
  }
  func.func @transform_13(%arg0: i32) -> (i32, i32) {
    %c0_i32 = arith.constant 0 : i32
    %c0_i32_0 = arith.constant 0 : i32
    %c0_i32_1 = arith.constant 0 : i32
    return %c0_i32, %c0_i32_0 : i32, i32
  }
}

</mosaic_0001>

<sc_bundles>
// kernel: kernel.6.cloned.1.call-start
scs
__scs_entry_jumppad:
0x0: {  	(pc) =	sbr.rel $0x88, $3  }
0x1: {  	(tag) =	ssettag $0x0;
	lr =	simm.s32 $0x1  }
0x2: {  	[smem:$0x3F9E] =	sst lr;
	_ =	strace $0xD0000000  }
0x3: {  	_ = 	snop  }
0x4: {  	_ = 	snop  }
0x5: {  	_ = 	snop  }
0x6: {  	_ = 	snop  }
0x7: {  	_ = 	snop  }
__scs_overlays_trampoline_lowered:
0x8: {  	[smem:$0x3FAD] =	sst s0  }
0x9: {  	[smem:$0x3FAE] =	sst s1  }
0xa: {  	[smem:$0x3FAF] =	sst s2  }
0xb: {  	[smem:$0x3FB0] =	sst s3  }
0xc: {  	[smem:$0x3FB1] =	sst s4  }
0xd: {  	[smem:$0x3FB2] =	sst s5  }
0xe: {  	[smem:$0x3FB3] =	sst s6  }
0xf: {  	[smem:$0x3FB4] =	sst s7  }
0x10: {  	[smem:$0x3FB5] =	sst s8  }
0x11: {  	[smem:$0x3FB6] =	sst s9;
	s0 =	simm.s32 @!p0 $0x0  }
0x12: {  	s1 =	sld [smem:$0x3F9C];
	s0 =	simm.s32 @p0 $0x1  }
0x13: {  	[smem:$0x3FB7] =	sst s0;
	s0 =	simm.s32 @!p1 $0x0  }
0x14: {  	s2 =	sld [smem:$0x3F9B];
	s0 =	simm.s32 @p1 $0x1  }
0x15: {  	[smem:$0x3FB8] =	sst s0;
	s0 =	simm.s32 @!p2 $0x0  }
0x16: {  	s3 =	sld [smem:$0x3FDB];
	s0 =	simm.s32 @p2 $0x1  }
0x17: {  	s4 =	simm.s32 $0x1BF5;
	[smem:$0x3FBA] =	sst s0  }
0x18: {  	s0 =	sld [smem:$0x3F9D];
	_ =	swait.ge [sflag:s4], $0x0  }
0x19: {  	s7 =	sld [smem:$0x3F9E]  }
0x1a: {  	s8 =	sadd.s32 $0xFFFFE003, lr  }
0x1b: {  	s9 =	sadd.s32 $0xFFFFFEF7, lr;
	s5 =	simm.s32 $0xFFFFFFFF;
	p2 =	slt.u32 s8, $0xFFFFF086  }
0x1c: {  	p1 =	slt.u32 s9, $0xF7A;
	s5 =	simm.s32 @!p2 $0x0  }
0x1d: {  	s5 =	simm.s32 @p1 $0x1;
	p0 =	seq.s32 s7, s2  }
0x1e: {  	s7 =	smul.u32 @!p0 $0xF7A, s2;
	p2 =	seq.s32 @!p0 s5, $0x0  }
0x1f: {  	s9 =	smul.u32 $0xF7A, s1;
	s8 =	simm.s32 @!p0 $0x1BF5;
	p2 =	por !p2, p0  }
0x20: {  	[sflag:s8] =	ssyncset.s32 @!p0 $0xFFFFF086;
	s6 =	sadd.s32 @!p0 s3, s7;
	s7 =	simm.s32 @!p0 $0x108  }
0x21: {  	s3 =	sadd.s32 s3, s9;
	s6 =	sadd.s32 @!p0 $0x88, s6;
	s7 =	simm.s32 @p2 $0x1082  }
0x22: {  	[simem:s7], [sflag:s8] =	dma.local @!p0 [hbm:s6], $0xF7A  }
0x23: {  	s9 =	sor.u32 $0xD0000000, s2;
	s6 =	simm.s32 $0x108;
	_ =	swait.ge @!p0 [sflag:s8], $0x0  }
0x24: {  	s3 =	sadd.s32 $0x88, s3;
	s6 =	simm.s32 @!p1 $0x1082;
	[sflag:s4] =	ssyncset.s32 $0xFFFFF086  }
0x25: {  	[simem:s6], [sflag:s4] =	dma.local [hbm:s3], $0xF7A  }
0x26: {  	[smem:$0x3F9E] =	sst s1;
	(tag) =	ssettag s2;
	_ =	strace s9  }
0x27: {  	s1 =	sld [smem:$0x3FAE]  }
0x28: {  	s2 =	sld [smem:$0x3FAF]  }
0x29: {  	s4 =	sld [smem:$0x3FB1]  }
0x2a: {  	p0 =	seq.s32 s5, $0x0;
	s5 =	sld [smem:$0x3FB2]  }
0x2b: {  	s6 =	sld [smem:$0x3FB3]  }
0x2c: {  	s7 =	sld [smem:$0x3FB4]  }
0x2d: {  	s3 =	simm.s32 $0x108;
	s8 =	sld [smem:$0x3FB5]  }
0x2e: {  	s3 =	simm.s32 @!p0 $0x1082;
	s9 =	sld [smem:$0x3FB6]  }
0x2f: {  	lr =	sadd.s32 s0, s3;
	s0 =	sld [smem:$0x3FAD]  }
0x30: {  	s3 =	sld [smem:$0x3FB0]  }
0x31: {  	[smem:$0x3FB9] =	sst s10  }
0x32: {  	s10 =	sld [smem:$0x3FB7];
	_ =	sdelay $0x3  }
0x33: {  	p0 =	seq.s32 s10, $0x1;
	s10 =	sld [smem:$0x3FB9];
	_ =	sdelay $0x3  }
0x34: {  	[smem:$0x3FB9] =	sst s10  }
0x35: {  	s10 =	sld [smem:$0x3FB8];
	_ =	sdelay $0x3  }
0x36: {  	p1 =	seq.s32 s10, $0x1;
	s10 =	sld [smem:$0x3FB9];
	_ =	sdelay $0x3  }
0x37: {  	[smem:$0x3FB9] =	sst s10  }
0x38: {  	s10 =	sld [smem:$0x3FBA]  }
0x39: {  	_ = 	snop;
	(pc) =	sbr.ind lr, $3  }
0x3a: {  	_ = 	snop  }
0x3b: {  	_ = 	snop  }
0x3c: {  	p2 =	seq.s32 s10, $0x1;
	s10 =	sld [smem:$0x3FB9]  }
0x3d: {  	_ =	shalt  }
0x3e: {  	_ =	shalt  }
0x3f: {  	_ =	shalt  }
0x40: {  	_ =	shalt  }
0x41: {  	_ =	shalt  }
0x42: {  	_ =	shalt  }
0x43: {  	_ =	shalt  }
0x44: {  	_ =	shalt  }
0x45: {  	_ =	shalt  }
0x46: {  	_ =	shalt  }
0x47: {  	_ =	shalt  }
0x48: {  	_ =	shalt  }
0x49: {  	_ =	shalt  }
0x4a: {  	_ =	shalt  }
0x4b: {  	_ =	shalt  }
0x4c: {  	_ =	shalt  }
0x4d: {  	_ =	shalt  }
0x4e: {  	_ =	shalt  }
0x4f: {  	_ =	shalt  }
0x50: {  	_ =	shalt  }
0x51: {  	_ =	shalt  }
0x52: {  	_ =	shalt  }
0x53: {  	_ =	shalt  }
0x54: {  	_ =	shalt  }
0x55: {  	_ =	shalt  }
0x56: {  	_ =	shalt  }
0x57: {  	_ =	shalt  }
0x58: {  	_ =	shalt  }
0x59: {  	_ =	shalt  }
0x5a: {  	_ =	shalt  }
0x5b: {  	_ =	shalt  }
0x5c: {  	_ =	shalt  }
0x5d: {  	_ =	shalt  }
0x5e: {  	_ =	shalt  }
0x5f: {  	_ =	shalt  }
0x60: {  	_ =	shalt  }
0x61: {  	_ =	shalt  }
0x62: {  	_ =	shalt  }
0x63: {  	_ =	shalt  }
0x64: {  	_ =	shalt  }
0x65: {  	_ =	shalt  }
0x66: {  	_ =	shalt  }
0x67: {  	_ =	shalt  }
0x68: {  	_ =	shalt  }
0x69: {  	_ =	shalt  }
0x6a: {  	_ =	shalt  }
0x6b: {  	_ =	shalt  }
0x6c: {  	_ =	shalt  }
0x6d: {  	_ =	shalt  }
0x6e: {  	_ =	shalt  }
0x6f: {  	_ =	shalt  }
0x70: {  	_ =	shalt  }
0x71: {  	_ =	shalt  }
0x72: {  	_ =	shalt  }
0x73: {  	_ =	shalt  }
0x74: {  	_ =	shalt  }
0x75: {  	_ =	shalt  }
0x76: {  	_ =	shalt  }
0x77: {  	_ =	shalt  }
0x78: {  	_ =	shalt  }
0x79: {  	_ =	shalt  }
0x7a: {  	_ =	shalt  }
0x7b: {  	_ =	shalt  }
0x7c: {  	_ =	shalt  }
0x7d: {  	_ =	shalt  }
0x7e: {  	_ =	shalt  }
0x7f: {  	_ =	shalt  }
0x80: {  	_ =	shalt  }
0x81: {  	_ =	shalt  }
0x82: {  	_ =	shalt  }
0x83: {  	_ =	shalt  }
0x84: {  	_ =	shalt  }
0x85: {  	_ =	shalt  }
0x86: {  	_ =	shalt  }
0x87: {  	_ =	shalt  }
.Lfunc_end0:
.L_simem_size_0:
called_computation_lowered:
.L_overlay_start_0:
0x88: {  	s2 =	sld [smem:$0x3FD9]  }
0x89: {  	s3 =	sld [smem:$0x3FFE];
	_ =	sdelay $0x1  }
0x8a: {  	s1 =	srdreg.scid  }
0x8b: {  	s0 =	sand.u32 $0x1, s1  }
0x8c: {  	s17 =	sshll.u32 s0, $0xA;
	s2 =	sadd.s32 s3, s2  }
0x8d: {  	s2 =	sadd.s32 s2, s17  }
0x8e: {  	[smem:$0x3FC5] =	sst s2  }
0x8f: {  	_ = 	snop  }
0x90: {  	s2 =	sld [smem:$0x3FC7];
	(tm) =	ssettm $0x1  }
0x91: {  	s18 =	sld [smem:$0x3FFB];
	_ =	sdelay $0x3  }
0x92: {  	_ =	strace s18  }
0x93: {  	s3 =	sld [smem:$0x3FFC];
	_ =	sdelay $0x3  }
0x94: {  	_ =	strace s3  }
0x95: {  	s3 =	sld [smem:$0x3FFD];
	_ =	sdelay $0x3  }
0x96: {  	_ =	strace s3  }
0x97: {  	_ =	strace $0x8FFFFFFF  }
0x98: {  	s19 =	sld [smem:$0x3FDB];
	_ =	sdelay $0x1  }
0x99: {  	s4 =	simm.s32 $_scs_section_size  }
0x9a: {  	s5 =	simm.s32 $_size__tile_overlayer_lowered;
	s6 =	simm.s32 $_tile_overlayer_lowered  }
0x9b: {  	s22 =	simm.s32 $0x1BFF;
	s21 =	sshll.u32 s6, $0x1;
	s3 =	sadd.s32 s4, s19  }
0x9c: {  	s7 =	simm.s32 $0x0;
	s20 =	sshll.u32 s5, $0x1;
	s5 =	sadd.s32 s21, s3  }
0x9d: {  	[timem:s7], [sflag:s22] =	dma.local [hbm:s5], s20  }
0x9e: {  	_ =	swait.ge [sflag:s22], s20  }
0x9f: {  	s4 =	ssub.s32 $0x0, s20;
	[sflag:s22] =	ssyncset.done $0x0  }
0xa0: {  	[sflag:s22] =	ssyncadd.s32 s4;
	_ =	sdelay $0x1  }
0xa1: {  	s23 =	simm.s32 $0x1B8B  }
0xa2: {  	_ =	swait.ge [sflag:s23], $0x1  }
0xa3: {  	[sflag:s23] =	ssyncset.done $0x0  }
0xa4: {  	s25 =	simm.s32 $0x1B8E;
	s24 =	sld [smem:$0x3FFE];
	[sflag:s23] =	ssyncadd.s32 $0xFFFFFFFF  }
0xa5: {  	s26 =	simm.s32 $execute0_lowered;
	[smem:$0x3FD2] =	sst s25  }
0xa6: {  	s5 =	sshll.u32 s26, $0x1;
	_ =	strace $0x80000046;
	[dreg:$0x1] =	wrdreg $0xFFFFFFFF  }
0xa7: {  	s28 =	simm.s32 $_size_execute0_lowered;
	s3 =	sadd.s32 s3, s5;
	[dreg:$0x0] =	wrdreg $0x0  }
0xa8: {  	s5 =	sshll.u32 s28, $0x1;
	[dreg:$0x2] =	wrdreg s3  }
0xa9: {  	[dreg:$0x3] =	wrdreg s5  }
0xaa: {  	[dreg:$0x4] =	wrdreg $0xC0  }
0xab: {  	_ =	task [dreg:s7], $0x5FFFF  }
0xac: {  	[dreg:$0x1] =	wrdreg $0xFFFFFFFF  }
0xad: {  	[dreg:$0x0] =	wrdreg $0x60  }
0xae: {  	[dreg:$0x2] =	wrdreg s2  }
0xaf: {  	[dreg:$0x3] =	wrdreg s24  }
0xb0: {  	[dreg:$0x4] =	wrdreg $0x9  }
0xb1: {  	_ =	task.clear_ibuf [dreg:s7], $0x5FFFF;
	_ =	strace $0x90000046  }
0xb2: {  	s29 =	simm.s32 $0x9;
	_ =	strace $0x80000048  }
0xb3: {  	_ =	swait.ge [sflag:s29], $0x1  }
0xb4: {  	[sflag:s29] =	ssyncadd.s32 $0xFFFFFFFF  }
0xb5: {  	_ =	strace $0x90000048  }
0xb6: {  	_ =	sfence  }
0xb7: {  	s30 =	sld [smem:$0x0];
	_ =	sdelay $0x2  }
0xb8: {  	s31 =	sshll.u32 s1, $0xD;
	s1 =	sshrl.u32 s1, $0x2  }
0xb9: {  	s3 =	sand.u32 $0x4000, s31;
	s1 =	sadd.s32 s1, s30  }
0xba: {  	s0 =	sor.u32 s3, s0;
	s1 =	sshll.u32 s1, $0x11  }
0xbb: {  	s0 =	sor.u32 s1, s0  }
0xbc: {  	s0 =	sadd.s32 $0x8F2B, s0  }
0xbd: {  	[sflag:s0] =	ssyncadd.remote.s32 $0x1  }
0xbe: {  	_ =	sfence.sel $0xFFFF  }
0xbf: {  	[dreg:$0x0] =	wrdreg $0xFFFFFFFF;
	(pc) =	sbr.abs _section_cstart, $3  }
0xc0: {  	[dreg:$0x1] =	wrdreg $0xFFFFFFFF  }
0xc1: {  	_ =	task.clear_ibuf [dreg:s7], $0x2FFFF;
	_ =	strace $0x9FFFFFFF  }
0xc2: {  	(tm) =	ssettm $0x7FFFFFFF  }
0xc3: {  	_ =	shalt  }
tec
execute0_lowered:
.L_overlay_start_1:
0x0: {  	(tag) =	ssettag $0x1  }
0x1: {  	s1 =	rddreg [dreg:$0x0]  }
0x2: {  	s4 =	rddreg [dreg:$0x1]  }
0x3: {  	s0 =	rddreg [dreg:$0x2]  }
0x4: {  	s5 =	srdreg.scid;
	s3 =	simm.s32 $0x0;
	s2 =	stileid.u32  }
0x5: {  	s9 =	simm.s32 $0x80;
	s10 =	simm.s32 $0x880;
	s11 =	simm.s32 $0x1080  }
0x6: {  	s12 =	simm.s32 $0x1880;
	s13 =	simm.s32 $0x2080;
	s14 =	simm.s32 $0x2880  }
0x7: {  	s15 =	simm.s32 $0x3080;
	s16 =	simm.s32 $0x3880;
	s5 =	sand.u32 $0x1, s5  }
0x8: {  	s17 =	simm.s32 $0x1;
	s6 =	sshll.u32 s2, $0x6;
	s7 =	sshll.u32 s5, $0x5  }
0x9: {  	[smem:$0x7FF] =	sst s3;
	s5 =	ssub.s32 $0x2, s5;
	s6 =	sor.u32 s7, s6  }
0xa: {  	_ =	strace $0x80000047;
	s31 =	sshrl.u32 s5, $0x1;
	s7 =	sshrl.u32 s6, $0x3  }
0xb: {  	v2 =	vlaneseq.u32;
	s6 =	sshll.u32 s6, $0x6;
	s8 =	ssub.s32 s5, s31;
	s7 =	sadd.s32 s7, s4  }
0xc: {  	vm0 =	vmmov $0xffff;
	v1 =	vshrl.u32 v2, $0x3;
	s5 =	sadd.s32 $0x100, s1;
	s6 =	sadd.s32 s6, s4;
	s4 =	sadd.s32 $0x16C00, s7  }
0xd: {  	v0 =	vand.u32 $0x7, v2;
	v2 =	vor.u32 $0x8, v2;
	v1 =	vmul.u32 $0x8, v1;
	s6 =	sadd.s32 $0x16E00, s6;
	s7 =	smax.u32 s8, $0x1;
	s8 =	simm.s32 $0x2  }
.LBB2_1:
0xe: {  	[tilespmem:s3], [sflag:$0x2] =	stream.linear.gather [hbm4b:s4+s3], $0x20, $0x38;
	[tilespmem:$0x4080] =	vst v63  }
0xf: {  	_ =	swait.ge [sflag:s8], $0x20  }
0x10: {  	[sflag:s8] =	ssyncset.done $0x0  }
0x11: {  	[sflag:s8] =	ssyncadd.s32 $0xFFFFFFE0  }
0x12: {  	v3 =	vld [tilespmem:$0x0];
	_ =	sdelay $0x4  }
0x13: {  	v4 =	vshll.u32 v3, $0x2  }
0x14: {  	v3 =	vand.u32 $0x7, v3;
	v4 =	vand.u32 $0xFFFFFFE0, v4  }
0x15: {  	v3 =	vor.u32 v3, v4  }
0x16: {  	v4 =	vperm.xlane v3, v0;
	_ =	sdelay $0x1  }
0x17: {  	v4 =	vadd.s32 v1, v4;
	_ =	sdelay $0x1  }
0x18: {  	v3 =	vperm.xlane v3, v2;
	_ =	sdelay $0x1  }
0x19: {  	v3 =	vadd.s32 v1, v3  }
0x1a: {  	[tilespmem:s9], [sflag:$0x1] =	stream.indirect_vreg.gather [hbm4b:s1+s3], $0x80, v4, vm0, $0xb8;
	[tilespmem:$0x4080] =	vst v63  }
0x1b: {  	_ = 	snop  }
0x1c: {  	[tilespmem:s10], [sflag:$0x1] =	stream.indirect_vreg.gather [hbm4b:s5+s3], $0x80, v4, vm0, $0xb8;
	[tilespmem:$0x4080] =	vst v63  }
0x1d: {  	_ = 	snop  }
0x1e: {  	[tilespmem:s11], [sflag:$0x1] =	stream.indirect_vreg.gather [hbm4b:s1+s3], $0x80, v3, vm0, $0xb8;
	[tilespmem:$0x4080] =	vst v63  }
0x1f: {  	_ = 	snop  }
0x20: {  	[tilespmem:s12], [sflag:$0x1] =	stream.indirect_vreg.gather [hbm4b:s5+s3], $0x80, v3, vm0, $0xb8;
	[tilespmem:$0x4080] =	vst v63  }
0x21: {  	v3 =	vld [tilespmem:$0x10];
	_ =	sdelay $0x4  }
0x22: {  	v63 =	vshll.u32 v3, $0x2  }
0x23: {  	v3 =	vand.u32 $0x7, v3;
	v4 =	vand.u32 $0xFFFFFFE0, v63  }
0x24: {  	v3 =	vor.u32 v3, v4  }
0x25: {  	v4 =	vperm.xlane v3, v0;
	_ =	sdelay $0x1  }
0x26: {  	v4 =	vadd.s32 v1, v4;
	_ =	sdelay $0x1  }
0x27: {  	v3 =	vperm.xlane v3, v2;
	_ =	sdelay $0x1  }
0x28: {  	v3 =	vadd.s32 v1, v3  }
0x29: {  	[tilespmem:s13], [sflag:$0x1] =	stream.indirect_vreg.gather [hbm4b:s1+s3], $0x80, v4, vm0, $0xb8;
	[tilespmem:$0x4080] =	vst v63  }
0x2a: {  	_ = 	snop  }
0x2b: {  	[tilespmem:s14], [sflag:$0x1] =	stream.indirect_vreg.gather [hbm4b:s5+s3], $0x80, v4, vm0, $0xb8;
	[tilespmem:$0x4080] =	vst v63  }
0x2c: {  	_ = 	snop  }
0x2d: {  	[tilespmem:s15], [sflag:$0x1] =	stream.indirect_vreg.gather [hbm4b:s1+s3], $0x80, v3, vm0, $0xb8;
	[tilespmem:$0x4080] =	vst v63  }
0x2e: {  	_ = 	snop  }
0x2f: {  	[tilespmem:s16], [sflag:$0x1] =	stream.indirect_vreg.gather [hbm4b:s5+s3], $0x80, v3, vm0, $0xb8;
	[tilespmem:$0x4080] =	vst v63  }
0x30: {  	_ =	swait.ge [sflag:s17], $0x4000  }
0x31: {  	p0 =	sne.s32 s7, $0x1;
	[sflag:s17] =	ssyncset.done $0x0  }
.Ltmp0:
0x32: {  	[sflag:s17] =	ssyncadd.s32 $0xFFFFC000;
	(pc) =	sbr.rel @p0 .LBB2_1-.Ltmp0, $4  }
0x33: {  	[hbm4b:s6+s3] =	stream.linear.scatter [tilespmem:s9], [sflag:$0x2], $0x4000, $0x38;
	[tilespmem:$0x4080] =	vst v63  }
0x34: {  	_ =	swait.ge [sflag:s8], $0x4000  }
0x35: {  	[sflag:s8] =	ssyncset.done $0x0  }
0x36: {  	s7 =	sadd.s32 $0xFFFFFFFF, s7;
	[sflag:s8] =	ssyncadd.s32 $0xFFFFC000  }
0x37: {  	_ =	sfence.sel $0x180000  }
0x38: {  	[bflag:$0x0] =	sbarrier.arrive $0xFFFF  }
0x39: {  	p0 =	sne.s32 s2, $0x0;
	_ =	strace $0x90000047  }
0x3a: {  	s0 =	sadd.s32 @!p0 $0x100000, s0;
	[bflag:$0x2] =	sbarrier.arrive $0xFFFF  }
0x3b: {  	[sflag:s0] =	ssyncadd.tile.s32 @!p0 $0x1;
	_ =	shalt  }
.Lfunc_end2:
_tile_overlayer_lowered:
.L_overlay_start_2:
0x3c: {  	(tag) =	ssettag $0x2  }
0x3d: {  	s0 =	rddreg [dreg:$0x0];
	s2 =	stileid.u32  }
0x3e: {  	s1 =	rddreg [dreg:$0x1];
	p0 =	sne.s32 s2, $0x0  }
0x3f: {  	s3 =	rddreg [dreg:$0x2];
	[bflag:$0x3] =	sbarrier.arrive $0xFFFF;
	s2 =	simm.s32 @!p0 $0x1C02  }
0x40: {  	[timem:s3], [sflag:s2] =	dma.local @!p0 [hbm:s0], s1  }
0x41: {  	s0 =	simm.s32 @!p0 $0x2  }
0x42: {  	_ =	swait.ge @!p0 [sflag:s0], s1  }
0x43: {  	s1 =	ssub.s32 @!p0 $0x0, s1;
	[sflag:s0] =	ssyncset.done @!p0 $0x0  }
0x44: {  	[sflag:s0] =	ssyncadd.s32 @!p0 s1  }
0x45: {  	[bflag:$0x3] =	sbarrier.arrive $0xFFFF  }
0x46: {  	_ =	shalt  }

</sc_bundles>
